<compile_context>
chip_gen: v7x
topology: tpu7x:2x2x1
jax: 0.10.2.dev20260603
libtpu: 0.0.44.dev20260713+nightly
codegen_flags: <defaults>
</compile_context>

<pallas_src>
import functools

import jax
import jax.numpy as jnp
from jax import lax
from jax.experimental import pallas as pl
from jax.experimental.pallas import tpu as pltpu
from jax.experimental.pallas import tpu_sc as plsc

KMER_NUM = 1000000
DIM = 2
LATENT_DIM = 7
BATCH = 16384

NUM_CORES = 2
NUM_SUBCORES = 16
NUM_WORKERS = NUM_CORES * NUM_SUBCORES
PAIRS_PER_W = BATCH // NUM_WORKERS
LANES = 16
CHUNKS = PAIRS_PER_W // LANES

TC_BLOCK = 262144
TC_GRID = -(-KMER_NUM // TC_BLOCK)
F_ROWS = TC_GRID * TC_BLOCK // 128

LOG2E = 1.4426950408889634


def _tc_project_body(at_ref, et_ref, f0_ref, f1_ref):
    at = at_ref[...]
    for _ in range(2):
        at = jnp.exp(at - jnp.max(at, axis=1, keepdims=True))
        at = at / jnp.sum(at, axis=1, keepdims=True)
    e = et_ref[...]
    eb = (e * LOG2E).astype(jnp.bfloat16)
    ex = jnp.exp2(eb)
    mt = jnp.concatenate([at, jnp.ones((1, LATENT_DIM), jnp.float32)], axis=0)
    f3 = jax.lax.dot_general(
        mt.astype(jnp.bfloat16),
        ex,
        (((1,), (0,)), ((), ())),
        preferred_element_type=jnp.float32,
    )
    u0 = f3[0:1].reshape(TC_BLOCK // 128, 128)
    u1 = f3[1:2].reshape(TC_BLOCK // 128, 128)
    s = f3[2:3].reshape(TC_BLOCK // 128, 128)
    r = 1.0 / s
    f0_ref[...] = u0 * r
    f1_ref[...] = u1 * r


def _tc_project(At, embsT):
    return pl.pallas_call(
        _tc_project_body,
        grid=(TC_GRID,),
        in_specs=[
            pl.BlockSpec((DIM, LATENT_DIM), lambda i: (0, 0)),
            pl.BlockSpec((LATENT_DIM, TC_BLOCK), lambda i: (0, i)),
        ],
        out_specs=[
            pl.BlockSpec((TC_BLOCK // 128, 128), lambda i: (i, 0)),
            pl.BlockSpec((TC_BLOCK // 128, 128), lambda i: (i, 0)),
        ],
        out_shape=[
            jax.ShapeDtypeStruct((F_ROWS, 128), jnp.float32),
            jax.ShapeDtypeStruct((F_ROWS, 128), jnp.float32),
        ],
    )(At, embsT)


XBLK = PAIRS_PER_W // 128


def _sc_pair_loss(f0, f1, x3, degrees):
    mesh = plsc.VectorSubcoreMesh(core_axis_name="c", subcore_axis_name="s")

    @functools.partial(
        pl.kernel,
        mesh=mesh,
        compiler_params=pltpu.CompilerParams(use_tc_tiling_on_sc=False),
        out_type=jax.ShapeDtypeStruct((NUM_WORKERS * LANES,), jnp.float32),
        scratch_types=[
            pltpu.VMEM((PAIRS_PER_W,), jnp.int32),
            pltpu.VMEM((PAIRS_PER_W,), jnp.int32),
            pltpu.VMEM((PAIRS_PER_W,), jnp.float32),
            pltpu.VMEM((PAIRS_PER_W,), jnp.float32),
            pltpu.VMEM((PAIRS_PER_W,), jnp.float32),
            pltpu.VMEM((PAIRS_PER_W,), jnp.float32),
            pltpu.VMEM((PAIRS_PER_W,), jnp.float32),
            pltpu.VMEM((LANES,), jnp.float32),
            pltpu.SemaphoreType.DMA,
            pltpu.SemaphoreType.DMA,
            pltpu.SemaphoreType.DMA,
            pltpu.SemaphoreType.DMA,
        ],
    )
    def k(f0_hbm, f1_hbm, x3_hbm, deg_hbm, out_hbm,
          i0_v, i1_v, a0_v, a1_v, b0_v, b1_v, deg_v, acc_v,
          sem0, sem1, sem2, sem3):
        wid = lax.axis_index("s") * NUM_CORES + lax.axis_index("c")
        base = wid * PAIRS_PER_W
        x0copies = []
        x1copies = []
        for j in range(XBLK):
            x0copies.append(pltpu.async_copy(
                x3_hbm.at[wid * XBLK + j, 0],
                i0_v.at[pl.ds(j * 128, 128)], sem0))
            x1copies.append(pltpu.async_copy(
                x3_hbm.at[wid * XBLK + j, 1],
                i1_v.at[pl.ds(j * 128, 128)], sem1))
        for c in x0copies:
            c.wait()
        c0 = pltpu.async_copy(f0_hbm.at[i0_v], a0_v, sem0)
        c2 = pltpu.async_copy(f1_hbm.at[i0_v], b0_v, sem2)
        for c in x1copies:
            c.wait()
        c1 = pltpu.async_copy(f0_hbm.at[i1_v], a1_v, sem1)
        c3 = pltpu.async_copy(f1_hbm.at[i1_v], b1_v, sem3)
        pltpu.sync_copy(deg_hbm.at[pl.ds(base, PAIRS_PER_W)], deg_v)
        c0.wait()
        c1.wait()
        c2.wait()
        c3.wait()

        acc = jnp.zeros((LANES,), jnp.float32)
        for i in range(CHUNKS):
            s = pl.ds(i * LANES, LANES)
            d = jnp.abs(a0_v[s] - a1_v[s]) + jnp.abs(b0_v[s] - b1_v[s])
            acc = acc + deg_v[s] * d + jnp.exp(-d)
        acc_v[...] = acc
        pltpu.sync_copy(acc_v, out_hbm.at[pl.ds(wid * LANES, LANES)])

    return k(f0, f1, x3, degrees)


def kernel(x, degrees, A, embs):
    f0, f1 = _tc_project(A.T, embs.T)
    x3 = x.reshape(128, 128, 2).transpose(0, 2, 1)
    partials = _sc_pair_loss(f0.reshape(-1), f1.reshape(-1), x3, degrees)
    return jnp.sum(partials)

# --- scband reference (transcript-rebuilt; emitter-appended) ---
"""Pipeline reference for scband-kmer-emb1-d-14559939134038 (READ-ONLY COPY).

The authoritative reference and input builder live on the scoring server;
editing this copy changes nothing except your own understanding.
"""

import jax, jax.numpy as jnp
import numpy as np

KMER_NUM = 1000000
DIM = 2
LATENT_DIM = 7
BATCH = 16384


def setup_inputs(seed: int = 0) -> dict:
    key = jax.random.key(seed)
    k1, k2, k3, k4 = jax.random.split(key, 4)
    x = jax.random.randint(k1, (BATCH, 2), 0, KMER_NUM, dtype=jnp.int32)
    degrees = jax.random.uniform(k2, (BATCH,), dtype=jnp.float32)
    A = 2.0 * jax.random.uniform(k3, (LATENT_DIM, DIM), dtype=jnp.float32) - 1.0
    embs = 2.0 * jax.random.uniform(k4, (KMER_NUM, LATENT_DIM), dtype=jnp.float32) - 1.0
    return {"x": x, "degrees": degrees, "A": A, "embs": embs}


def reference(x, degrees, A, embs):
    # Faithful translation of KMerEmb1D.__compute_loss
    # Note: original applies softmax to A along dim 0 twice (once outside, once inside)
    A_sm = jax.nn.softmax(A, axis=0)
    A_sm2 = jax.nn.softmax(A_sm, axis=0)
    # embedding gathers (index_select on dim 0)
    e0 = jnp.take(embs, x[:, 0], axis=0)
    e1 = jnp.take(embs, x[:, 1], axis=0)
    p0 = jax.nn.softmax(e0, axis=1)
    p1 = jax.nn.softmax(e1, axis=1)
    diff = p0 @ A_sm2 - p1 @ A_sm2
    dist = jnp.sum(jnp.abs(diff), axis=1)  # L1 norm over dim 1
    rate = jnp.exp(-dist)
    loss = -(degrees * jnp.log(rate) - rate).sum()
    return loss

if __name__ == "__main__":
    import jax
    _d = setup_inputs()
    print(jax.jit(kernel)(*tuple(_d.values())))

</pallas_src>

<mosaic_0001>
#map = affine_map<(d0, d1) -> (0)>
#map1 = affine_map<(d0, d1) -> (0, 0, 0)>
module attributes {stable_mosaic.version = 14 : i64} {
  func.func @k(%arg0: i32, %arg1: i32, %arg2: memref<1048576xf32, #tpu.memory_space<hbm>>, %arg3: memref<1048576xf32, #tpu.memory_space<hbm>>, %arg4: memref<128x2x128xi32, #tpu.memory_space<hbm>>, %arg5: memref<16384xf32, #tpu.memory_space<hbm>>, %arg6: memref<512xf32, #tpu.memory_space<hbm>>, %arg7: memref<512xi32, #tpu.memory_space<vmem>>, %arg8: memref<512xi32, #tpu.memory_space<vmem>>, %arg9: memref<512xf32, #tpu.memory_space<vmem>>, %arg10: memref<512xf32, #tpu.memory_space<vmem>>, %arg11: memref<512xf32, #tpu.memory_space<vmem>>, %arg12: memref<512xf32, #tpu.memory_space<vmem>>, %arg13: memref<512xf32, #tpu.memory_space<vmem>>, %arg14: memref<16xf32, #tpu.memory_space<vmem>>, %arg15: memref<!tpu.dma_semaphore, #tpu.memory_space<semaphore_mem>>, %arg16: memref<!tpu.dma_semaphore, #tpu.memory_space<semaphore_mem>>, %arg17: memref<!tpu.dma_semaphore, #tpu.memory_space<semaphore_mem>>, %arg18: memref<!tpu.dma_semaphore, #tpu.memory_space<semaphore_mem>>) attributes {dimension_semantics = [#tpu.dimension_semantics<core_parallel>, #tpu.dimension_semantics<subcore_parallel>], iteration_bounds = array<i64: 2, 16>, scalar_prefetch = 0 : i64, scratch_operands = 12 : i64, tpu.core_type = #tpu.core_type<sc_vector_subcore>, window_params = [{transform_indices = #map}, {transform_indices = #map}, {transform_indices = #map1}, {transform_indices = #map}, {transform_indices = #map}]} {
    %mul3A = arith.constant 2 : i32
    %mul3A_0 = arith.muli %arg1, %mul3A : i32
    %add3A = arith.addi %mul3A_0, %arg0 : i32
    %mul3A_1 = arith.constant 512 : i32
    %mul3A_2 = arith.muli %add3A, %mul3A_1 : i32
    %mul3A_3 = arith.constant 4 : i32
    %mul3A_4 = arith.muli %add3A, %mul3A_3 : i32
    %add3A_5 = arith.constant 0 : i32
    %add3A_6 = arith.addi %mul3A_4, %add3A_5 : i32
    %dma_start3A = arith.constant 0 : i32
    %dma_start3A_7 = arith.constant 0 : i32
    %dma_start3A_8 = tpu.memref_slice %arg7[%dma_start3A_7] : memref<512xi32, #tpu.memory_space<vmem>> -> memref<128xi32, #tpu.memory_space<vmem>>
    %dma_start3A_9 = arith.constant 0 : i32
    %dma_start3A_10 = tpu.memref_slice %arg4[%add3A_6, %dma_start3A, %dma_start3A_9] : memref<128x2x128xi32, #tpu.memory_space<hbm>> -> memref<1x1x128xi32, #tpu.memory_space<hbm>>
    %dma_start3A_11 = tpu.memref_squeeze %dma_start3A_10 : memref<1x1x128xi32, #tpu.memory_space<hbm>> -> memref<128xi32, #tpu.memory_space<hbm>>
    %dma_start3A_12 = arith.constant 0 : i32
    %dma_start3A_13 = tpu.memref_slice %arg7[%dma_start3A_12] : memref<512xi32, #tpu.memory_space<vmem>> -> memref<128xi32, #tpu.memory_space<vmem>>
    %dma_start3A_14 = arith.constant 0 : i32
    %dma_start3A_15 = tpu.memref_slice %arg4[%add3A_6, %dma_start3A, %dma_start3A_14] : memref<128x2x128xi32, #tpu.memory_space<hbm>> -> memref<1x1x128xi32, #tpu.memory_space<hbm>>
    %dma_start3A_16 = tpu.memref_squeeze %dma_start3A_15 : memref<1x1x128xi32, #tpu.memory_space<hbm>> -> memref<128xi32, #tpu.memory_space<hbm>>
    tpu.enqueue_dma source(%dma_start3A_16 : memref<128xi32, #tpu.memory_space<hbm>>) target(%dma_start3A_13 : memref<128xi32, #tpu.memory_space<vmem>>) target_semaphore(%arg15 : memref<!tpu.dma_semaphore, #tpu.memory_space<semaphore_mem>>)
    %mul3A_17 = arith.constant 4 : i32
    %mul3A_18 = arith.muli %add3A, %mul3A_17 : i32
    %add3A_19 = arith.constant 0 : i32
    %add3A_20 = arith.addi %mul3A_18, %add3A_19 : i32
    %dma_start3A_21 = arith.constant 1 : i32
    %dma_start3A_22 = arith.constant 0 : i32
    %dma_start3A_23 = tpu.memref_slice %arg8[%dma_start3A_22] : memref<512xi32, #tpu.memory_space<vmem>> -> memref<128xi32, #tpu.memory_space<vmem>>
    %dma_start3A_24 = arith.constant 0 : i32
    %dma_start3A_25 = tpu.memref_slice %arg4[%add3A_20, %dma_start3A_21, %dma_start3A_24] : memref<128x2x128xi32, #tpu.memory_space<hbm>> -> memref<1x1x128xi32, #tpu.memory_space<hbm>>
    %dma_start3A_26 = tpu.memref_squeeze %dma_start3A_25 : memref<1x1x128xi32, #tpu.memory_space<hbm>> -> memref<128xi32, #tpu.memory_space<hbm>>
    %dma_start3A_27 = arith.constant 0 : i32
    %dma_start3A_28 = tpu.memref_slice %arg8[%dma_start3A_27] : memref<512xi32, #tpu.memory_space<vmem>> -> memref<128xi32, #tpu.memory_space<vmem>>
    %dma_start3A_29 = arith.constant 0 : i32
    %dma_start3A_30 = tpu.memref_slice %arg4[%add3A_20, %dma_start3A_21, %dma_start3A_29] : memref<128x2x128xi32, #tpu.memory_space<hbm>> -> memref<1x1x128xi32, #tpu.memory_space<hbm>>
    %dma_start3A_31 = tpu.memref_squeeze %dma_start3A_30 : memref<1x1x128xi32, #tpu.memory_space<hbm>> -> memref<128xi32, #tpu.memory_space<hbm>>
    tpu.enqueue_dma source(%dma_start3A_31 : memref<128xi32, #tpu.memory_space<hbm>>) target(%dma_start3A_28 : memref<128xi32, #tpu.memory_space<vmem>>) target_semaphore(%arg16 : memref<!tpu.dma_semaphore, #tpu.memory_space<semaphore_mem>>)
    %mul3A_32 = arith.constant 4 : i32
    %mul3A_33 = arith.muli %add3A, %mul3A_32 : i32
    %add3A_34 = arith.constant 1 : i32
    %add3A_35 = arith.addi %mul3A_33, %add3A_34 : i32
    %dma_start3A_36 = arith.constant 0 : i32
    %dma_start3A_37 = arith.constant 128 : i32
    %dma_start3A_38 = tpu.memref_slice %arg7[%dma_start3A_37] : memref<512xi32, #tpu.memory_space<vmem>> -> memref<128xi32, #tpu.memory_space<vmem>>
    %dma_start3A_39 = arith.constant 0 : i32
    %dma_start3A_40 = tpu.memref_slice %arg4[%add3A_35, %dma_start3A_36, %dma_start3A_39] : memref<128x2x128xi32, #tpu.memory_space<hbm>> -> memref<1x1x128xi32, #tpu.memory_space<hbm>>
    %dma_start3A_41 = tpu.memref_squeeze %dma_start3A_40 : memref<1x1x128xi32, #tpu.memory_space<hbm>> -> memref<128xi32, #tpu.memory_space<hbm>>
    %dma_start3A_42 = arith.constant 128 : i32
    %dma_start3A_43 = tpu.memref_slice %arg7[%dma_start3A_42] : memref<512xi32, #tpu.memory_space<vmem>> -> memref<128xi32, #tpu.memory_space<vmem>>
    %dma_start3A_44 = arith.constant 0 : i32
    %dma_start3A_45 = tpu.memref_slice %arg4[%add3A_35, %dma_start3A_36, %dma_start3A_44] : memref<128x2x128xi32, #tpu.memory_space<hbm>> -> memref<1x1x128xi32, #tpu.memory_space<hbm>>
    %dma_start3A_46 = tpu.memref_squeeze %dma_start3A_45 : memref<1x1x128xi32, #tpu.memory_space<hbm>> -> memref<128xi32, #tpu.memory_space<hbm>>
    tpu.enqueue_dma source(%dma_start3A_46 : memref<128xi32, #tpu.memory_space<hbm>>) target(%dma_start3A_43 : memref<128xi32, #tpu.memory_space<vmem>>) target_semaphore(%arg15 : memref<!tpu.dma_semaphore, #tpu.memory_space<semaphore_mem>>)
    %mul3A_47 = arith.constant 4 : i32
    %mul3A_48 = arith.muli %add3A, %mul3A_47 : i32
    %add3A_49 = arith.constant 1 : i32
    %add3A_50 = arith.addi %mul3A_48, %add3A_49 : i32
    %dma_start3A_51 = arith.constant 1 : i32
    %dma_start3A_52 = arith.constant 128 : i32
    %dma_start3A_53 = tpu.memref_slice %arg8[%dma_start3A_52] : memref<512xi32, #tpu.memory_space<vmem>> -> memref<128xi32, #tpu.memory_space<vmem>>
    %dma_start3A_54 = arith.constant 0 : i32
    %dma_start3A_55 = tpu.memref_slice %arg4[%add3A_50, %dma_start3A_51, %dma_start3A_54] : memref<128x2x128xi32, #tpu.memory_space<hbm>> -> memref<1x1x128xi32, #tpu.memory_space<hbm>>
    %dma_start3A_56 = tpu.memref_squeeze %dma_start3A_55 : memref<1x1x128xi32, #tpu.memory_space<hbm>> -> memref<128xi32, #tpu.memory_space<hbm>>
    %dma_start3A_57 = arith.constant 128 : i32
    %dma_start3A_58 = tpu.memref_slice %arg8[%dma_start3A_57] : memref<512xi32, #tpu.memory_space<vmem>> -> memref<128xi32, #tpu.memory_space<vmem>>
    %dma_start3A_59 = arith.constant 0 : i32
    %dma_start3A_60 = tpu.memref_slice %arg4[%add3A_50, %dma_start3A_51, %dma_start3A_59] : memref<128x2x128xi32, #tpu.memory_space<hbm>> -> memref<1x1x128xi32, #tpu.memory_space<hbm>>
    %dma_start3A_61 = tpu.memref_squeeze %dma_start3A_60 : memref<1x1x128xi32, #tpu.memory_space<hbm>> -> memref<128xi32, #tpu.memory_space<hbm>>
    tpu.enqueue_dma source(%dma_start3A_61 : memref<128xi32, #tpu.memory_space<hbm>>) target(%dma_start3A_58 : memref<128xi32, #tpu.memory_space<vmem>>) target_semaphore(%arg16 : memref<!tpu.dma_semaphore, #tpu.memory_space<semaphore_mem>>)
    %mul3A_62 = arith.constant 4 : i32
    %mul3A_63 = arith.muli %add3A, %mul3A_62 : i32
    %add3A_64 = arith.constant 2 : i32
    %add3A_65 = arith.addi %mul3A_63, %add3A_64 : i32
    %dma_start3A_66 = arith.constant 0 : i32
    %dma_start3A_67 = arith.constant 256 : i32
    %dma_start3A_68 = tpu.memref_slice %arg7[%dma_start3A_67] : memref<512xi32, #tpu.memory_space<vmem>> -> memref<128xi32, #tpu.memory_space<vmem>>
    %dma_start3A_69 = arith.constant 0 : i32
    %dma_start3A_70 = tpu.memref_slice %arg4[%add3A_65, %dma_start3A_66, %dma_start3A_69] : memref<128x2x128xi32, #tpu.memory_space<hbm>> -> memref<1x1x128xi32, #tpu.memory_space<hbm>>
    %dma_start3A_71 = tpu.memref_squeeze %dma_start3A_70 : memref<1x1x128xi32, #tpu.memory_space<hbm>> -> memref<128xi32, #tpu.memory_space<hbm>>
    %dma_start3A_72 = arith.constant 256 : i32
    %dma_start3A_73 = tpu.memref_slice %arg7[%dma_start3A_72] : memref<512xi32, #tpu.memory_space<vmem>> -> memref<128xi32, #tpu.memory_space<vmem>>
    %dma_start3A_74 = arith.constant 0 : i32
    %dma_start3A_75 = tpu.memref_slice %arg4[%add3A_65, %dma_start3A_66, %dma_start3A_74] : memref<128x2x128xi32, #tpu.memory_space<hbm>> -> memref<1x1x128xi32, #tpu.memory_space<hbm>>
    %dma_start3A_76 = tpu.memref_squeeze %dma_start3A_75 : memref<1x1x128xi32, #tpu.memory_space<hbm>> -> memref<128xi32, #tpu.memory_space<hbm>>
    tpu.enqueue_dma source(%dma_start3A_76 : memref<128xi32, #tpu.memory_space<hbm>>) target(%dma_start3A_73 : memref<128xi32, #tpu.memory_space<vmem>>) target_semaphore(%arg15 : memref<!tpu.dma_semaphore, #tpu.memory_space<semaphore_mem>>)
    %mul3A_77 = arith.constant 4 : i32
    %mul3A_78 = arith.muli %add3A, %mul3A_77 : i32
    %add3A_79 = arith.constant 2 : i32
    %add3A_80 = arith.addi %mul3A_78, %add3A_79 : i32
    %dma_start3A_81 = arith.constant 1 : i32
    %dma_start3A_82 = arith.constant 256 : i32
    %dma_start3A_83 = tpu.memref_slice %arg8[%dma_start3A_82] : memref<512xi32, #tpu.memory_space<vmem>> -> memref<128xi32, #tpu.memory_space<vmem>>
    %dma_start3A_84 = arith.constant 0 : i32
    %dma_start3A_85 = tpu.memref_slice %arg4[%add3A_80, %dma_start3A_81, %dma_start3A_84] : memref<128x2x128xi32, #tpu.memory_space<hbm>> -> memref<1x1x128xi32, #tpu.memory_space<hbm>>
    %dma_start3A_86 = tpu.memref_squeeze %dma_start3A_85 : memref<1x1x128xi32, #tpu.memory_space<hbm>> -> memref<128xi32, #tpu.memory_space<hbm>>
    %dma_start3A_87 = arith.constant 256 : i32
    %dma_start3A_88 = tpu.memref_slice %arg8[%dma_start3A_87] : memref<512xi32, #tpu.memory_space<vmem>> -> memref<128xi32, #tpu.memory_space<vmem>>
    %dma_start3A_89 = arith.constant 0 : i32
    %dma_start3A_90 = tpu.memref_slice %arg4[%add3A_80, %dma_start3A_81, %dma_start3A_89] : memref<128x2x128xi32, #tpu.memory_space<hbm>> -> memref<1x1x128xi32, #tpu.memory_space<hbm>>
    %dma_start3A_91 = tpu.memref_squeeze %dma_start3A_90 : memref<1x1x128xi32, #tpu.memory_space<hbm>> -> memref<128xi32, #tpu.memory_space<hbm>>
    tpu.enqueue_dma source(%dma_start3A_91 : memref<128xi32, #tpu.memory_space<hbm>>) target(%dma_start3A_88 : memref<128xi32, #tpu.memory_space<vmem>>) target_semaphore(%arg16 : memref<!tpu.dma_semaphore, #tpu.memory_space<semaphore_mem>>)
    %mul3A_92 = arith.constant 4 : i32
    %mul3A_93 = arith.muli %add3A, %mul3A_92 : i32
    %add3A_94 = arith.constant 3 : i32
    %add3A_95 = arith.addi %mul3A_93, %add3A_94 : i32
    %dma_start3A_96 = arith.constant 0 : i32
    %dma_start3A_97 = arith.constant 384 : i32
    %dma_start3A_98 = tpu.memref_slice %arg7[%dma_start3A_97] : memref<512xi32, #tpu.memory_space<vmem>> -> memref<128xi32, #tpu.memory_space<vmem>>
    %dma_start3A_99 = arith.constant 0 : i32
    %dma_start3A_100 = tpu.memref_slice %arg4[%add3A_95, %dma_start3A_96, %dma_start3A_99] : memref<128x2x128xi32, #tpu.memory_space<hbm>> -> memref<1x1x128xi32, #tpu.memory_space<hbm>>
    %dma_start3A_101 = tpu.memref_squeeze %dma_start3A_100 : memref<1x1x128xi32, #tpu.memory_space<hbm>> -> memref<128xi32, #tpu.memory_space<hbm>>
    %dma_start3A_102 = arith.constant 384 : i32
    %dma_start3A_103 = tpu.memref_slice %arg7[%dma_start3A_102] : memref<512xi32, #tpu.memory_space<vmem>> -> memref<128xi32, #tpu.memory_space<vmem>>
    %dma_start3A_104 = arith.constant 0 : i32
    %dma_start3A_105 = tpu.memref_slice %arg4[%add3A_95, %dma_start3A_96, %dma_start3A_104] : memref<128x2x128xi32, #tpu.memory_space<hbm>> -> memref<1x1x128xi32, #tpu.memory_space<hbm>>
    %dma_start3A_106 = tpu.memref_squeeze %dma_start3A_105 : memref<1x1x128xi32, #tpu.memory_space<hbm>> -> memref<128xi32, #tpu.memory_space<hbm>>
    tpu.enqueue_dma source(%dma_start3A_106 : memref<128xi32, #tpu.memory_space<hbm>>) target(%dma_start3A_103 : memref<128xi32, #tpu.memory_space<vmem>>) target_semaphore(%arg15 : memref<!tpu.dma_semaphore, #tpu.memory_space<semaphore_mem>>)
    %mul3A_107 = arith.constant 4 : i32
    %mul3A_108 = arith.muli %add3A, %mul3A_107 : i32
    %add3A_109 = arith.constant 3 : i32
    %add3A_110 = arith.addi %mul3A_108, %add3A_109 : i32
    %dma_start3A_111 = arith.constant 1 : i32
    %dma_start3A_112 = arith.constant 384 : i32
    %dma_start3A_113 = tpu.memref_slice %arg8[%dma_start3A_112] : memref<512xi32, #tpu.memory_space<vmem>> -> memref<128xi32, #tpu.memory_space<vmem>>
    %dma_start3A_114 = arith.constant 0 : i32
    %dma_start3A_115 = tpu.memref_slice %arg4[%add3A_110, %dma_start3A_111, %dma_start3A_114] : memref<128x2x128xi32, #tpu.memory_space<hbm>> -> memref<1x1x128xi32, #tpu.memory_space<hbm>>
    %dma_start3A_116 = tpu.memref_squeeze %dma_start3A_115 : memref<1x1x128xi32, #tpu.memory_space<hbm>> -> memref<128xi32, #tpu.memory_space<hbm>>
    %dma_start3A_117 = arith.constant 384 : i32
    %dma_start3A_118 = tpu.memref_slice %arg8[%dma_start3A_117] : memref<512xi32, #tpu.memory_space<vmem>> -> memref<128xi32, #tpu.memory_space<vmem>>
    %dma_start3A_119 = arith.constant 0 : i32
    %dma_start3A_120 = tpu.memref_slice %arg4[%add3A_110, %dma_start3A_111, %dma_start3A_119] : memref<128x2x128xi32, #tpu.memory_space<hbm>> -> memref<1x1x128xi32, #tpu.memory_space<hbm>>
    %dma_start3A_121 = tpu.memref_squeeze %dma_start3A_120 : memref<1x1x128xi32, #tpu.memory_space<hbm>> -> memref<128xi32, #tpu.memory_space<hbm>>
    tpu.enqueue_dma source(%dma_start3A_121 : memref<128xi32, #tpu.memory_space<hbm>>) target(%dma_start3A_118 : memref<128xi32, #tpu.memory_space<vmem>>) target_semaphore(%arg16 : memref<!tpu.dma_semaphore, #tpu.memory_space<semaphore_mem>>)
    %dma_wait3A = arith.constant 0 : i32
    %dma_wait3A_122 = arith.constant 0 : i32
    %dma_wait3A_123 = tpu.memref_slice %arg7[%dma_wait3A_122] : memref<512xi32, #tpu.memory_space<vmem>> -> memref<128xi32, #tpu.memory_space<vmem>>
    %dma_wait3A_124 = arith.constant 0 : i32
    %dma_wait3A_125 = tpu.memref_slice %arg4[%add3A_6, %dma_wait3A, %dma_wait3A_124] : memref<128x2x128xi32, #tpu.memory_space<hbm>> -> memref<1x1x128xi32, #tpu.memory_space<hbm>>
    %dma_wait3A_126 = tpu.memref_squeeze %dma_wait3A_125 : memref<1x1x128xi32, #tpu.memory_space<hbm>> -> memref<128xi32, #tpu.memory_space<hbm>>
    %dma_wait3A_127 = arith.constant 0 : i32
    %dma_wait3A_128 = tpu.memref_slice %arg7[%dma_wait3A_127] : memref<512xi32, #tpu.memory_space<vmem>> -> memref<128xi32, #tpu.memory_space<vmem>>
    %dma_wait3A_129 = arith.constant 0 : i32
    %dma_wait3A_130 = tpu.memref_slice %arg4[%add3A_6, %dma_wait3A, %dma_wait3A_129] : memref<128x2x128xi32, #tpu.memory_space<hbm>> -> memref<1x1x128xi32, #tpu.memory_space<hbm>>
    %dma_wait3A_131 = tpu.memref_squeeze %dma_wait3A_130 : memref<1x1x128xi32, #tpu.memory_space<hbm>> -> memref<128xi32, #tpu.memory_space<hbm>>
    tpu.wait_dma2 semaphore(%arg15 : memref<!tpu.dma_semaphore, #tpu.memory_space<semaphore_mem>>) src(%dma_wait3A_131 : memref<128xi32, #tpu.memory_space<hbm>>) dst(%dma_wait3A_128 : memref<128xi32, #tpu.memory_space<vmem>>)
    %dma_wait3A_132 = arith.constant 0 : i32
    %dma_wait3A_133 = arith.constant 128 : i32
    %dma_wait3A_134 = tpu.memref_slice %arg7[%dma_wait3A_133] : memref<512xi32, #tpu.memory_space<vmem>> -> memref<128xi32, #tpu.memory_space<vmem>>
    %dma_wait3A_135 = arith.constant 0 : i32
    %dma_wait3A_136 = tpu.memref_slice %arg4[%add3A_35, %dma_wait3A_132, %dma_wait3A_135] : memref<128x2x128xi32, #tpu.memory_space<hbm>> -> memref<1x1x128xi32, #tpu.memory_space<hbm>>
    %dma_wait3A_137 = tpu.memref_squeeze %dma_wait3A_136 : memref<1x1x128xi32, #tpu.memory_space<hbm>> -> memref<128xi32, #tpu.memory_space<hbm>>
    %dma_wait3A_138 = arith.constant 128 : i32
    %dma_wait3A_139 = tpu.memref_slice %arg7[%dma_wait3A_138] : memref<512xi32, #tpu.memory_space<vmem>> -> memref<128xi32, #tpu.memory_space<vmem>>
    %dma_wait3A_140 = arith.constant 0 : i32
    %dma_wait3A_141 = tpu.memref_slice %arg4[%add3A_35, %dma_wait3A_132, %dma_wait3A_140] : memref<128x2x128xi32, #tpu.memory_space<hbm>> -> memref<1x1x128xi32, #tpu.memory_space<hbm>>
    %dma_wait3A_142 = tpu.memref_squeeze %dma_wait3A_141 : memref<1x1x128xi32, #tpu.memory_space<hbm>> -> memref<128xi32, #tpu.memory_space<hbm>>
    tpu.wait_dma2 semaphore(%arg15 : memref<!tpu.dma_semaphore, #tpu.memory_space<semaphore_mem>>) src(%dma_wait3A_142 : memref<128xi32, #tpu.memory_space<hbm>>) dst(%dma_wait3A_139 : memref<128xi32, #tpu.memory_space<vmem>>)
    %dma_wait3A_143 = arith.constant 0 : i32
    %dma_wait3A_144 = arith.constant 256 : i32
    %dma_wait3A_145 = tpu.memref_slice %arg7[%dma_wait3A_144] : memref<512xi32, #tpu.memory_space<vmem>> -> memref<128xi32, #tpu.memory_space<vmem>>
    %dma_wait3A_146 = arith.constant 0 : i32
    %dma_wait3A_147 = tpu.memref_slice %arg4[%add3A_65, %dma_wait3A_143, %dma_wait3A_146] : memref<128x2x128xi32, #tpu.memory_space<hbm>> -> memref<1x1x128xi32, #tpu.memory_space<hbm>>
    %dma_wait3A_148 = tpu.memref_squeeze %dma_wait3A_147 : memref<1x1x128xi32, #tpu.memory_space<hbm>> -> memref<128xi32, #tpu.memory_space<hbm>>
    %dma_wait3A_149 = arith.constant 256 : i32
    %dma_wait3A_150 = tpu.memref_slice %arg7[%dma_wait3A_149] : memref<512xi32, #tpu.memory_space<vmem>> -> memref<128xi32, #tpu.memory_space<vmem>>
    %dma_wait3A_151 = arith.constant 0 : i32
    %dma_wait3A_152 = tpu.memref_slice %arg4[%add3A_65, %dma_wait3A_143, %dma_wait3A_151] : memref<128x2x128xi32, #tpu.memory_space<hbm>> -> memref<1x1x128xi32, #tpu.memory_space<hbm>>
    %dma_wait3A_153 = tpu.memref_squeeze %dma_wait3A_152 : memref<1x1x128xi32, #tpu.memory_space<hbm>> -> memref<128xi32, #tpu.memory_space<hbm>>
    tpu.wait_dma2 semaphore(%arg15 : memref<!tpu.dma_semaphore, #tpu.memory_space<semaphore_mem>>) src(%dma_wait3A_153 : memref<128xi32, #tpu.memory_space<hbm>>) dst(%dma_wait3A_150 : memref<128xi32, #tpu.memory_space<vmem>>)
    %dma_wait3A_154 = arith.constant 0 : i32
    %dma_wait3A_155 = arith.constant 384 : i32
    %dma_wait3A_156 = tpu.memref_slice %arg7[%dma_wait3A_155] : memref<512xi32, #tpu.memory_space<vmem>> -> memref<128xi32, #tpu.memory_space<vmem>>
    %dma_wait3A_157 = arith.constant 0 : i32
    %dma_wait3A_158 = tpu.memref_slice %arg4[%add3A_95, %dma_wait3A_154, %dma_wait3A_157] : memref<128x2x128xi32, #tpu.memory_space<hbm>> -> memref<1x1x128xi32, #tpu.memory_space<hbm>>
    %dma_wait3A_159 = tpu.memref_squeeze %dma_wait3A_158 : memref<1x1x128xi32, #tpu.memory_space<hbm>> -> memref<128xi32, #tpu.memory_space<hbm>>
    %dma_wait3A_160 = arith.constant 384 : i32
    %dma_wait3A_161 = tpu.memref_slice %arg7[%dma_wait3A_160] : memref<512xi32, #tpu.memory_space<vmem>> -> memref<128xi32, #tpu.memory_space<vmem>>
    %dma_wait3A_162 = arith.constant 0 : i32
    %dma_wait3A_163 = tpu.memref_slice %arg4[%add3A_95, %dma_wait3A_154, %dma_wait3A_162] : memref<128x2x128xi32, #tpu.memory_space<hbm>> -> memref<1x1x128xi32, #tpu.memory_space<hbm>>
    %dma_wait3A_164 = tpu.memref_squeeze %dma_wait3A_163 : memref<1x1x128xi32, #tpu.memory_space<hbm>> -> memref<128xi32, #tpu.memory_space<hbm>>
    tpu.wait_dma2 semaphore(%arg15 : memref<!tpu.dma_semaphore, #tpu.memory_space<semaphore_mem>>) src(%dma_wait3A_164 : memref<128xi32, #tpu.memory_space<hbm>>) dst(%dma_wait3A_161 : memref<128xi32, #tpu.memory_space<vmem>>)
    %dma_start3A_165 = arith.constant 0 : i32
    %dma_start3A_166 = tpu.memref_slice %arg2[%dma_start3A_165] : memref<1048576xf32, #tpu.memory_space<hbm>> -> memref<1048576xf32, #tpu.memory_space<hbm>>
    tpu.enqueue_indirect_dma source(%dma_start3A_166 : memref<1048576xf32, #tpu.memory_space<hbm>>) target(%arg9 : memref<512xf32, #tpu.memory_space<vmem>>) offsets(%arg7 : memref<512xi32, #tpu.memory_space<vmem>>) semaphore(%arg15 : memref<!tpu.dma_semaphore, #tpu.memory_space<semaphore_mem>>)
    %dma_start3A_167 = arith.constant 0 : i32
    %dma_start3A_168 = tpu.memref_slice %arg3[%dma_start3A_167] : memref<1048576xf32, #tpu.memory_space<hbm>> -> memref<1048576xf32, #tpu.memory_space<hbm>>
    tpu.enqueue_indirect_dma source(%dma_start3A_168 : memref<1048576xf32, #tpu.memory_space<hbm>>) target(%arg11 : memref<512xf32, #tpu.memory_space<vmem>>) offsets(%arg7 : memref<512xi32, #tpu.memory_space<vmem>>) semaphore(%arg17 : memref<!tpu.dma_semaphore, #tpu.memory_space<semaphore_mem>>)
    %dma_wait3A_169 = arith.constant 1 : i32
    %dma_wait3A_170 = arith.constant 0 : i32
    %dma_wait3A_171 = tpu.memref_slice %arg8[%dma_wait3A_170] : memref<512xi32, #tpu.memory_space<vmem>> -> memref<128xi32, #tpu.memory_space<vmem>>
    %dma_wait3A_172 = arith.constant 0 : i32
    %dma_wait3A_173 = tpu.memref_slice %arg4[%add3A_20, %dma_wait3A_169, %dma_wait3A_172] : memref<128x2x128xi32, #tpu.memory_space<hbm>> -> memref<1x1x128xi32, #tpu.memory_space<hbm>>
    %dma_wait3A_174 = tpu.memref_squeeze %dma_wait3A_173 : memref<1x1x128xi32, #tpu.memory_space<hbm>> -> memref<128xi32, #tpu.memory_space<hbm>>
    %dma_wait3A_175 = arith.constant 0 : i32
    %dma_wait3A_176 = tpu.memref_slice %arg8[%dma_wait3A_175] : memref<512xi32, #tpu.memory_space<vmem>> -> memref<128xi32, #tpu.memory_space<vmem>>
    %dma_wait3A_177 = arith.constant 0 : i32
    %dma_wait3A_178 = tpu.memref_slice %arg4[%add3A_20, %dma_wait3A_169, %dma_wait3A_177] : memref<128x2x128xi32, #tpu.memory_space<hbm>> -> memref<1x1x128xi32, #tpu.memory_space<hbm>>
    %dma_wait3A_179 = tpu.memref_squeeze %dma_wait3A_178 : memref<1x1x128xi32, #tpu.memory_space<hbm>> -> memref<128xi32, #tpu.memory_space<hbm>>
    tpu.wait_dma2 semaphore(%arg16 : memref<!tpu.dma_semaphore, #tpu.memory_space<semaphore_mem>>) src(%dma_wait3A_179 : memref<128xi32, #tpu.memory_space<hbm>>) dst(%dma_wait3A_176 : memref<128xi32, #tpu.memory_space<vmem>>)
    %dma_wait3A_180 = arith.constant 1 : i32
    %dma_wait3A_181 = arith.constant 128 : i32
    %dma_wait3A_182 = tpu.memref_slice %arg8[%dma_wait3A_181] : memref<512xi32, #tpu.memory_space<vmem>> -> memref<128xi32, #tpu.memory_space<vmem>>
    %dma_wait3A_183 = arith.constant 0 : i32
    %dma_wait3A_184 = tpu.memref_slice %arg4[%add3A_50, %dma_wait3A_180, %dma_wait3A_183] : memref<128x2x128xi32, #tpu.memory_space<hbm>> -> memref<1x1x128xi32, #tpu.memory_space<hbm>>
    %dma_wait3A_185 = tpu.memref_squeeze %dma_wait3A_184 : memref<1x1x128xi32, #tpu.memory_space<hbm>> -> memref<128xi32, #tpu.memory_space<hbm>>
    %dma_wait3A_186 = arith.constant 128 : i32
    %dma_wait3A_187 = tpu.memref_slice %arg8[%dma_wait3A_186] : memref<512xi32, #tpu.memory_space<vmem>> -> memref<128xi32, #tpu.memory_space<vmem>>
    %dma_wait3A_188 = arith.constant 0 : i32
    %dma_wait3A_189 = tpu.memref_slice %arg4[%add3A_50, %dma_wait3A_180, %dma_wait3A_188] : memref<128x2x128xi32, #tpu.memory_space<hbm>> -> memref<1x1x128xi32, #tpu.memory_space<hbm>>
    %dma_wait3A_190 = tpu.memref_squeeze %dma_wait3A_189 : memref<1x1x128xi32, #tpu.memory_space<hbm>> -> memref<128xi32, #tpu.memory_space<hbm>>
    tpu.wait_dma2 semaphore(%arg16 : memref<!tpu.dma_semaphore, #tpu.memory_space<semaphore_mem>>) src(%dma_wait3A_190 : memref<128xi32, #tpu.memory_space<hbm>>) dst(%dma_wait3A_187 : memref<128xi32, #tpu.memory_space<vmem>>)
    %dma_wait3A_191 = arith.constant 1 : i32
    %dma_wait3A_192 = arith.constant 256 : i32
    %dma_wait3A_193 = tpu.memref_slice %arg8[%dma_wait3A_192] : memref<512xi32, #tpu.memory_space<vmem>> -> memref<128xi32, #tpu.memory_space<vmem>>
    %dma_wait3A_194 = arith.constant 0 : i32
    %dma_wait3A_195 = tpu.memref_slice %arg4[%add3A_80, %dma_wait3A_191, %dma_wait3A_194] : memref<128x2x128xi32, #tpu.memory_space<hbm>> -> memref<1x1x128xi32, #tpu.memory_space<hbm>>
    %dma_wait3A_196 = tpu.memref_squeeze %dma_wait3A_195 : memref<1x1x128xi32, #tpu.memory_space<hbm>> -> memref<128xi32, #tpu.memory_space<hbm>>
    %dma_wait3A_197 = arith.constant 256 : i32
    %dma_wait3A_198 = tpu.memref_slice %arg8[%dma_wait3A_197] : memref<512xi32, #tpu.memory_space<vmem>> -> memref<128xi32, #tpu.memory_space<vmem>>
    %dma_wait3A_199 = arith.constant 0 : i32
    %dma_wait3A_200 = tpu.memref_slice %arg4[%add3A_80, %dma_wait3A_191, %dma_wait3A_199] : memref<128x2x128xi32, #tpu.memory_space<hbm>> -> memref<1x1x128xi32, #tpu.memory_space<hbm>>
    %dma_wait3A_201 = tpu.memref_squeeze %dma_wait3A_200 : memref<1x1x128xi32, #tpu.memory_space<hbm>> -> memref<128xi32, #tpu.memory_space<hbm>>
    tpu.wait_dma2 semaphore(%arg16 : memref<!tpu.dma_semaphore, #tpu.memory_space<semaphore_mem>>) src(%dma_wait3A_201 : memref<128xi32, #tpu.memory_space<hbm>>) dst(%dma_wait3A_198 : memref<128xi32, #tpu.memory_space<vmem>>)
    %dma_wait3A_202 = arith.constant 1 : i32
    %dma_wait3A_203 = arith.constant 384 : i32
    %dma_wait3A_204 = tpu.memref_slice %arg8[%dma_wait3A_203] : memref<512xi32, #tpu.memory_space<vmem>> -> memref<128xi32, #tpu.memory_space<vmem>>
    %dma_wait3A_205 = arith.constant 0 : i32
    %dma_wait3A_206 = tpu.memref_slice %arg4[%add3A_110, %dma_wait3A_202, %dma_wait3A_205] : memref<128x2x128xi32, #tpu.memory_space<hbm>> -> memref<1x1x128xi32, #tpu.memory_space<hbm>>
    %dma_wait3A_207 = tpu.memref_squeeze %dma_wait3A_206 : memref<1x1x128xi32, #tpu.memory_space<hbm>> -> memref<128xi32, #tpu.memory_space<hbm>>
    %dma_wait3A_208 = arith.constant 384 : i32
    %dma_wait3A_209 = tpu.memref_slice %arg8[%dma_wait3A_208] : memref<512xi32, #tpu.memory_space<vmem>> -> memref<128xi32, #tpu.memory_space<vmem>>
    %dma_wait3A_210 = arith.constant 0 : i32
    %dma_wait3A_211 = tpu.memref_slice %arg4[%add3A_110, %dma_wait3A_202, %dma_wait3A_210] : memref<128x2x128xi32, #tpu.memory_space<hbm>> -> memref<1x1x128xi32, #tpu.memory_space<hbm>>
    %dma_wait3A_212 = tpu.memref_squeeze %dma_wait3A_211 : memref<1x1x128xi32, #tpu.memory_space<hbm>> -> memref<128xi32, #tpu.memory_space<hbm>>
    tpu.wait_dma2 semaphore(%arg16 : memref<!tpu.dma_semaphore, #tpu.memory_space<semaphore_mem>>) src(%dma_wait3A_212 : memref<128xi32, #tpu.memory_space<hbm>>) dst(%dma_wait3A_209 : memref<128xi32, #tpu.memory_space<vmem>>)
    %dma_start3A_213 = arith.constant 0 : i32
    %dma_start3A_214 = tpu.memref_slice %arg2[%dma_start3A_213] : memref<1048576xf32, #tpu.memory_space<hbm>> -> memref<1048576xf32, #tpu.memory_space<hbm>>
    tpu.enqueue_indirect_dma source(%dma_start3A_214 : memref<1048576xf32, #tpu.memory_space<hbm>>) target(%arg10 : memref<512xf32, #tpu.memory_space<vmem>>) offsets(%arg8 : memref<512xi32, #tpu.memory_space<vmem>>) semaphore(%arg16 : memref<!tpu.dma_semaphore, #tpu.memory_space<semaphore_mem>>)
    %dma_start3A_215 = arith.constant 0 : i32
    %dma_start3A_216 = tpu.memref_slice %arg3[%dma_start3A_215] : memref<1048576xf32, #tpu.memory_space<hbm>> -> memref<1048576xf32, #tpu.memory_space<hbm>>
    tpu.enqueue_indirect_dma source(%dma_start3A_216 : memref<1048576xf32, #tpu.memory_space<hbm>>) target(%arg12 : memref<512xf32, #tpu.memory_space<vmem>>) offsets(%arg8 : memref<512xi32, #tpu.memory_space<vmem>>) semaphore(%arg18 : memref<!tpu.dma_semaphore, #tpu.memory_space<semaphore_mem>>)
    "tpu.region"() ({
      %run_scoped3A = tpu.sem_alloc : memref<!tpu.dma_semaphore, #tpu.memory_space<semaphore_mem>>
      %dma_start3A_1090 = tpu.memref_slice %arg5[%mul3A_2] : memref<16384xf32, #tpu.memory_space<hbm>> -> memref<512xf32, #tpu.memory_space<hbm>>
      %dma_start3A_1091 = tpu.memref_slice %arg5[%mul3A_2] : memref<16384xf32, #tpu.memory_space<hbm>> -> memref<512xf32, #tpu.memory_space<hbm>>
      tpu.enqueue_dma source(%dma_start3A_1091 : memref<512xf32, #tpu.memory_space<hbm>>) target(%arg13 : memref<512xf32, #tpu.memory_space<vmem>>) target_semaphore(%run_scoped3A : memref<!tpu.dma_semaphore, #tpu.memory_space<semaphore_mem>>)
      %dma_wait3A_1092 = tpu.memref_slice %arg5[%mul3A_2] : memref<16384xf32, #tpu.memory_space<hbm>> -> memref<512xf32, #tpu.memory_space<hbm>>
      %dma_wait3A_1093 = tpu.memref_slice %arg5[%mul3A_2] : memref<16384xf32, #tpu.memory_space<hbm>> -> memref<512xf32, #tpu.memory_space<hbm>>
      tpu.wait_dma2 semaphore(%run_scoped3A : memref<!tpu.dma_semaphore, #tpu.memory_space<semaphore_mem>>) src(%dma_wait3A_1093 : memref<512xf32, #tpu.memory_space<hbm>>) dst(%arg13 : memref<512xf32, #tpu.memory_space<vmem>>)
      tpu.yield
    }) : () -> ()
    %dma_wait3A_217 = arith.constant 0 : i32
    %dma_wait3A_218 = tpu.memref_slice %arg2[%dma_wait3A_217] : memref<1048576xf32, #tpu.memory_space<hbm>> -> memref<1048576xf32, #tpu.memory_space<hbm>>
    tpu.wait_indirect_dma semaphore(%arg15 : memref<!tpu.dma_semaphore, #tpu.memory_space<semaphore_mem>>) src(%dma_wait3A_218 : memref<1048576xf32, #tpu.memory_space<hbm>>) dst(%arg9 : memref<512xf32, #tpu.memory_space<vmem>>)
    %dma_wait3A_219 = arith.constant 0 : i32
    %dma_wait3A_220 = tpu.memref_slice %arg2[%dma_wait3A_219] : memref<1048576xf32, #tpu.memory_space<hbm>> -> memref<1048576xf32, #tpu.memory_space<hbm>>
    tpu.wait_indirect_dma semaphore(%arg16 : memref<!tpu.dma_semaphore, #tpu.memory_space<semaphore_mem>>) src(%dma_wait3A_220 : memref<1048576xf32, #tpu.memory_space<hbm>>) dst(%arg10 : memref<512xf32, #tpu.memory_space<vmem>>)
    %dma_wait3A_221 = arith.constant 0 : i32
    %dma_wait3A_222 = tpu.memref_slice %arg3[%dma_wait3A_221] : memref<1048576xf32, #tpu.memory_space<hbm>> -> memref<1048576xf32, #tpu.memory_space<hbm>>
    tpu.wait_indirect_dma semaphore(%arg17 : memref<!tpu.dma_semaphore, #tpu.memory_space<semaphore_mem>>) src(%dma_wait3A_222 : memref<1048576xf32, #tpu.memory_space<hbm>>) dst(%arg11 : memref<512xf32, #tpu.memory_space<vmem>>)
    %dma_wait3A_223 = arith.constant 0 : i32
    %dma_wait3A_224 = tpu.memref_slice %arg3[%dma_wait3A_223] : memref<1048576xf32, #tpu.memory_space<hbm>> -> memref<1048576xf32, #tpu.memory_space<hbm>>
    tpu.wait_indirect_dma semaphore(%arg18 : memref<!tpu.dma_semaphore, #tpu.memory_space<semaphore_mem>>) src(%dma_wait3A_224 : memref<1048576xf32, #tpu.memory_space<hbm>>) dst(%arg12 : memref<512xf32, #tpu.memory_space<vmem>>)
    %broadcast_in_dim3A = arith.constant 0.000000e+00 : f32
    %broadcast_in_dim3A_225 = vector.broadcast %broadcast_in_dim3A : f32 to vector<16xf32>
    %get3A = arith.constant 0 : index
    %get3A_226 = tpu.vector_load %arg9[%get3A] {strides = array<i32>} : memref<512xf32, #tpu.memory_space<vmem>>, vector<16xf32>,
    %get3A_227 = vector.shape_cast %get3A_226 : vector<16xf32> to vector<16xf32>
    %get3A_228 = arith.constant 0 : index
    %get3A_229 = tpu.vector_load %arg10[%get3A_228] {strides = array<i32>} : memref<512xf32, #tpu.memory_space<vmem>>, vector<16xf32>,
    %get3A_230 = vector.shape_cast %get3A_229 : vector<16xf32> to vector<16xf32>
    %sub3A = arith.subf %get3A_227, %get3A_230 : vector<16xf32>
    %abs3A = math.absf %sub3A : vector<16xf32>
    %get3A_231 = arith.constant 0 : index
    %get3A_232 = tpu.vector_load %arg11[%get3A_231] {strides = array<i32>} : memref<512xf32, #tpu.memory_space<vmem>>, vector<16xf32>,
    %get3A_233 = vector.shape_cast %get3A_232 : vector<16xf32> to vector<16xf32>
    %get3A_234 = arith.constant 0 : index
    %get3A_235 = tpu.vector_load %arg12[%get3A_234] {strides = array<i32>} : memref<512xf32, #tpu.memory_space<vmem>>, vector<16xf32>,
    %get3A_236 = vector.shape_cast %get3A_235 : vector<16xf32> to vector<16xf32>
    %sub3A_237 = arith.subf %get3A_233, %get3A_236 : vector<16xf32>
    %abs3A_238 = math.absf %sub3A_237 : vector<16xf32>
    %add3A_239 = arith.addf %abs3A, %abs3A_238 : vector<16xf32>
    %get3A_240 = arith.constant 0 : index
    %get3A_241 = tpu.vector_load %arg13[%get3A_240] {strides = array<i32>} : memref<512xf32, #tpu.memory_space<vmem>>, vector<16xf32>,
    %get3A_242 = vector.shape_cast %get3A_241 : vector<16xf32> to vector<16xf32>
    %mul3A_243 = arith.mulf %get3A_242, %add3A_239 : vector<16xf32>
    %add3A_244 = arith.addf %broadcast_in_dim3A_225, %mul3A_243 : vector<16xf32>
    %neg3A = arith.constant 0.000000e+00 : f32
    %neg3A_245 = vector.broadcast %neg3A : f32 to vector<16xf32>
    %neg3A_246 = arith.subf %neg3A_245, %add3A_239 : vector<16xf32>
    %exp3A = math.exp %neg3A_246 : vector<16xf32>
    %add3A_247 = arith.addf %add3A_244, %exp3A : vector<16xf32>
    %get3A_248 = arith.constant 16 : index
    %get3A_249 = tpu.vector_load %arg9[%get3A_248] {strides = array<i32>} : memref<512xf32, #tpu.memory_space<vmem>>, vector<16xf32>,
    %get3A_250 = vector.shape_cast %get3A_249 : vector<16xf32> to vector<16xf32>
    %get3A_251 = arith.constant 16 : index
    %get3A_252 = tpu.vector_load %arg10[%get3A_251] {strides = array<i32>} : memref<512xf32, #tpu.memory_space<vmem>>, vector<16xf32>,
    %get3A_253 = vector.shape_cast %get3A_252 : vector<16xf32> to vector<16xf32>
    %sub3A_254 = arith.subf %get3A_250, %get3A_253 : vector<16xf32>
    %abs3A_255 = math.absf %sub3A_254 : vector<16xf32>
    %get3A_256 = arith.constant 16 : index
    %get3A_257 = tpu.vector_load %arg11[%get3A_256] {strides = array<i32>} : memref<512xf32, #tpu.memory_space<vmem>>, vector<16xf32>,
    %get3A_258 = vector.shape_cast %get3A_257 : vector<16xf32> to vector<16xf32>
    %get3A_259 = arith.constant 16 : index
    %get3A_260 = tpu.vector_load %arg12[%get3A_259] {strides = array<i32>} : memref<512xf32, #tpu.memory_space<vmem>>, vector<16xf32>,
    %get3A_261 = vector.shape_cast %get3A_260 : vector<16xf32> to vector<16xf32>
    %sub3A_262 = arith.subf %get3A_258, %get3A_261 : vector<16xf32>
    %abs3A_263 = math.absf %sub3A_262 : vector<16xf32>
    %add3A_264 = arith.addf %abs3A_255, %abs3A_263 : vector<16xf32>
    %get3A_265 = arith.constant 16 : index
    %get3A_266 = tpu.vector_load %arg13[%get3A_265] {strides = array<i32>} : memref<512xf32, #tpu.memory_space<vmem>>, vector<16xf32>,
    %get3A_267 = vector.shape_cast %get3A_266 : vector<16xf32> to vector<16xf32>
    %mul3A_268 = arith.mulf %get3A_267, %add3A_264 : vector<16xf32>
    %add3A_269 = arith.addf %add3A_247, %mul3A_268 : vector<16xf32>
    %neg3A_270 = arith.constant 0.000000e+00 : f32
    %neg3A_271 = vector.broadcast %neg3A_270 : f32 to vector<16xf32>
    %neg3A_272 = arith.subf %neg3A_271, %add3A_264 : vector<16xf32>
    %exp3A_273 = math.exp %neg3A_272 : vector<16xf32>
    %add3A_274 = arith.addf %add3A_269, %exp3A_273 : vector<16xf32>
    %get3A_275 = arith.constant 32 : index
    %get3A_276 = tpu.vector_load %arg9[%get3A_275] {strides = array<i32>} : memref<512xf32, #tpu.memory_space<vmem>>, vector<16xf32>,
    %get3A_277 = vector.shape_cast %get3A_276 : vector<16xf32> to vector<16xf32>
    %get3A_278 = arith.constant 32 : index
    %get3A_279 = tpu.vector_load %arg10[%get3A_278] {strides = array<i32>} : memref<512xf32, #tpu.memory_space<vmem>>, vector<16xf32>,
    %get3A_280 = vector.shape_cast %get3A_279 : vector<16xf32> to vector<16xf32>
    %sub3A_281 = arith.subf %get3A_277, %get3A_280 : vector<16xf32>
    %abs3A_282 = math.absf %sub3A_281 : vector<16xf32>
    %get3A_283 = arith.constant 32 : index
    %get3A_284 = tpu.vector_load %arg11[%get3A_283] {strides = array<i32>} : memref<512xf32, #tpu.memory_space<vmem>>, vector<16xf32>,
    %get3A_285 = vector.shape_cast %get3A_284 : vector<16xf32> to vector<16xf32>
    %get3A_286 = arith.constant 32 : index
    %get3A_287 = tpu.vector_load %arg12[%get3A_286] {strides = array<i32>} : memref<512xf32, #tpu.memory_space<vmem>>, vector<16xf32>,
    %get3A_288 = vector.shape_cast %get3A_287 : vector<16xf32> to vector<16xf32>
    %sub3A_289 = arith.subf %get3A_285, %get3A_288 : vector<16xf32>
    %abs3A_290 = math.absf %sub3A_289 : vector<16xf32>
    %add3A_291 = arith.addf %abs3A_282, %abs3A_290 : vector<16xf32>
    %get3A_292 = arith.constant 32 : index
    %get3A_293 = tpu.vector_load %arg13[%get3A_292] {strides = array<i32>} : memref<512xf32, #tpu.memory_space<vmem>>, vector<16xf32>,
    %get3A_294 = vector.shape_cast %get3A_293 : vector<16xf32> to vector<16xf32>
    %mul3A_295 = arith.mulf %get3A_294, %add3A_291 : vector<16xf32>
    %add3A_296 = arith.addf %add3A_274, %mul3A_295 : vector<16xf32>
    %neg3A_297 = arith.constant 0.000000e+00 : f32
    %neg3A_298 = vector.broadcast %neg3A_297 : f32 to vector<16xf32>
    %neg3A_299 = arith.subf %neg3A_298, %add3A_291 : vector<16xf32>
    %exp3A_300 = math.exp %neg3A_299 : vector<16xf32>
    %add3A_301 = arith.addf %add3A_296, %exp3A_300 : vector<16xf32>
    %get3A_302 = arith.constant 48 : index
    %get3A_303 = tpu.vector_load %arg9[%get3A_302] {strides = array<i32>} : memref<512xf32, #tpu.memory_space<vmem>>, vector<16xf32>,
    %get3A_304 = vector.shape_cast %get3A_303 : vector<16xf32> to vector<16xf32>
    %get3A_305 = arith.constant 48 : index
    %get3A_306 = tpu.vector_load %arg10[%get3A_305] {strides = array<i32>} : memref<512xf32, #tpu.memory_space<vmem>>, vector<16xf32>,
    %get3A_307 = vector.shape_cast %get3A_306 : vector<16xf32> to vector<16xf32>
    %sub3A_308 = arith.subf %get3A_304, %get3A_307 : vector<16xf32>
    %abs3A_309 = math.absf %sub3A_308 : vector<16xf32>
    %get3A_310 = arith.constant 48 : index
    %get3A_311 = tpu.vector_load %arg11[%get3A_310] {strides = array<i32>} : memref<512xf32, #tpu.memory_space<vmem>>, vector<16xf32>,
    %get3A_312 = vector.shape_cast %get3A_311 : vector<16xf32> to vector<16xf32>
    %get3A_313 = arith.constant 48 : index
    %get3A_314 = tpu.vector_load %arg12[%get3A_313] {strides = array<i32>} : memref<512xf32, #tpu.memory_space<vmem>>, vector<16xf32>,
    %get3A_315 = vector.shape_cast %get3A_314 : vector<16xf32> to vector<16xf32>
    %sub3A_316 = arith.subf %get3A_312, %get3A_315 : vector<16xf32>
    %abs3A_317 = math.absf %sub3A_316 : vector<16xf32>
    %add3A_318 = arith.addf %abs3A_309, %abs3A_317 : vector<16xf32>
    %get3A_319 = arith.constant 48 : index
    %get3A_320 = tpu.vector_load %arg13[%get3A_319] {strides = array<i32>} : memref<512xf32, #tpu.memory_space<vmem>>, vector<16xf32>,
    %get3A_321 = vector.shape_cast %get3A_320 : vector<16xf32> to vector<16xf32>
    %mul3A_322 = arith.mulf %get3A_321, %add3A_318 : vector<16xf32>
    %add3A_323 = arith.addf %add3A_301, %mul3A_322 : vector<16xf32>
    %neg3A_324 = arith.constant 0.000000e+00 : f32
    %neg3A_325 = vector.broadcast %neg3A_324 : f32 to vector<16xf32>
    %neg3A_326 = arith.subf %neg3A_325, %add3A_318 : vector<16xf32>
    %exp3A_327 = math.exp %neg3A_326 : vector<16xf32>
    %add3A_328 = arith.addf %add3A_323, %exp3A_327 : vector<16xf32>
    %get3A_329 = arith.constant 64 : index
    %get3A_330 = tpu.vector_load %arg9[%get3A_329] {strides = array<i32>} : memref<512xf32, #tpu.memory_space<vmem>>, vector<16xf32>,
    %get3A_331 = vector.shape_cast %get3A_330 : vector<16xf32> to vector<16xf32>
    %get3A_332 = arith.constant 64 : index
    %get3A_333 = tpu.vector_load %arg10[%get3A_332] {strides = array<i32>} : memref<512xf32, #tpu.memory_space<vmem>>, vector<16xf32>,
    %get3A_334 = vector.shape_cast %get3A_333 : vector<16xf32> to vector<16xf32>
    %sub3A_335 = arith.subf %get3A_331, %get3A_334 : vector<16xf32>
    %abs3A_336 = math.absf %sub3A_335 : vector<16xf32>
    %get3A_337 = arith.constant 64 : index
    %get3A_338 = tpu.vector_load %arg11[%get3A_337] {strides = array<i32>} : memref<512xf32, #tpu.memory_space<vmem>>, vector<16xf32>,
    %get3A_339 = vector.shape_cast %get3A_338 : vector<16xf32> to vector<16xf32>
    %get3A_340 = arith.constant 64 : index
    %get3A_341 = tpu.vector_load %arg12[%get3A_340] {strides = array<i32>} : memref<512xf32, #tpu.memory_space<vmem>>, vector<16xf32>,
    %get3A_342 = vector.shape_cast %get3A_341 : vector<16xf32> to vector<16xf32>
    %sub3A_343 = arith.subf %get3A_339, %get3A_342 : vector<16xf32>
    %abs3A_344 = math.absf %sub3A_343 : vector<16xf32>
    %add3A_345 = arith.addf %abs3A_336, %abs3A_344 : vector<16xf32>
    %get3A_346 = arith.constant 64 : index
    %get3A_347 = tpu.vector_load %arg13[%get3A_346] {strides = array<i32>} : memref<512xf32, #tpu.memory_space<vmem>>, vector<16xf32>,
    %get3A_348 = vector.shape_cast %get3A_347 : vector<16xf32> to vector<16xf32>
    %mul3A_349 = arith.mulf %get3A_348, %add3A_345 : vector<16xf32>
    %add3A_350 = arith.addf %add3A_328, %mul3A_349 : vector<16xf32>
    %neg3A_351 = arith.constant 0.000000e+00 : f32
    %neg3A_352 = vector.broadcast %neg3A_351 : f32 to vector<16xf32>
    %neg3A_353 = arith.subf %neg3A_352, %add3A_345 : vector<16xf32>
    %exp3A_354 = math.exp %neg3A_353 : vector<16xf32>
    %add3A_355 = arith.addf %add3A_350, %exp3A_354 : vector<16xf32>
    %get3A_356 = arith.constant 80 : index
    %get3A_357 = tpu.vector_load %arg9[%get3A_356] {strides = array<i32>} : memref<512xf32, #tpu.memory_space<vmem>>, vector<16xf32>,
    %get3A_358 = vector.shape_cast %get3A_357 : vector<16xf32> to vector<16xf32>
    %get3A_359 = arith.constant 80 : index
    %get3A_360 = tpu.vector_load %arg10[%get3A_359] {strides = array<i32>} : memref<512xf32, #tpu.memory_space<vmem>>, vector<16xf32>,
    %get3A_361 = vector.shape_cast %get3A_360 : vector<16xf32> to vector<16xf32>
    %sub3A_362 = arith.subf %get3A_358, %get3A_361 : vector<16xf32>
    %abs3A_363 = math.absf %sub3A_362 : vector<16xf32>
    %get3A_364 = arith.constant 80 : index
    %get3A_365 = tpu.vector_load %arg11[%get3A_364] {strides = array<i32>} : memref<512xf32, #tpu.memory_space<vmem>>, vector<16xf32>,
    %get3A_366 = vector.shape_cast %get3A_365 : vector<16xf32> to vector<16xf32>
    %get3A_367 = arith.constant 80 : index
    %get3A_368 = tpu.vector_load %arg12[%get3A_367] {strides = array<i32>} : memref<512xf32, #tpu.memory_space<vmem>>, vector<16xf32>,
    %get3A_369 = vector.shape_cast %get3A_368 : vector<16xf32> to vector<16xf32>
    %sub3A_370 = arith.subf %get3A_366, %get3A_369 : vector<16xf32>
    %abs3A_371 = math.absf %sub3A_370 : vector<16xf32>
    %add3A_372 = arith.addf %abs3A_363, %abs3A_371 : vector<16xf32>
    %get3A_373 = arith.constant 80 : index
    %get3A_374 = tpu.vector_load %arg13[%get3A_373] {strides = array<i32>} : memref<512xf32, #tpu.memory_space<vmem>>, vector<16xf32>,
    %get3A_375 = vector.shape_cast %get3A_374 : vector<16xf32> to vector<16xf32>
    %mul3A_376 = arith.mulf %get3A_375, %add3A_372 : vector<16xf32>
    %add3A_377 = arith.addf %add3A_355, %mul3A_376 : vector<16xf32>
    %neg3A_378 = arith.constant 0.000000e+00 : f32
    %neg3A_379 = vector.broadcast %neg3A_378 : f32 to vector<16xf32>
    %neg3A_380 = arith.subf %neg3A_379, %add3A_372 : vector<16xf32>
    %exp3A_381 = math.exp %neg3A_380 : vector<16xf32>
    %add3A_382 = arith.addf %add3A_377, %exp3A_381 : vector<16xf32>
    %get3A_383 = arith.constant 96 : index
    %get3A_384 = tpu.vector_load %arg9[%get3A_383] {strides = array<i32>} : memref<512xf32, #tpu.memory_space<vmem>>, vector<16xf32>,
    %get3A_385 = vector.shape_cast %get3A_384 : vector<16xf32> to vector<16xf32>
    %get3A_386 = arith.constant 96 : index
    %get3A_387 = tpu.vector_load %arg10[%get3A_386] {strides = array<i32>} : memref<512xf32, #tpu.memory_space<vmem>>, vector<16xf32>,
    %get3A_388 = vector.shape_cast %get3A_387 : vector<16xf32> to vector<16xf32>
    %sub3A_389 = arith.subf %get3A_385, %get3A_388 : vector<16xf32>
    %abs3A_390 = math.absf %sub3A_389 : vector<16xf32>
    %get3A_391 = arith.constant 96 : index
    %get3A_392 = tpu.vector_load %arg11[%get3A_391] {strides = array<i32>} : memref<512xf32, #tpu.memory_space<vmem>>, vector<16xf32>,
    %get3A_393 = vector.shape_cast %get3A_392 : vector<16xf32> to vector<16xf32>
    %get3A_394 = arith.constant 96 : index
    %get3A_395 = tpu.vector_load %arg12[%get3A_394] {strides = array<i32>} : memref<512xf32, #tpu.memory_space<vmem>>, vector<16xf32>,
    %get3A_396 = vector.shape_cast %get3A_395 : vector<16xf32> to vector<16xf32>
    %sub3A_397 = arith.subf %get3A_393, %get3A_396 : vector<16xf32>
    %abs3A_398 = math.absf %sub3A_397 : vector<16xf32>
    %add3A_399 = arith.addf %abs3A_390, %abs3A_398 : vector<16xf32>
    %get3A_400 = arith.constant 96 : index
    %get3A_401 = tpu.vector_load %arg13[%get3A_400] {strides = array<i32>} : memref<512xf32, #tpu.memory_space<vmem>>, vector<16xf32>,
    %get3A_402 = vector.shape_cast %get3A_401 : vector<16xf32> to vector<16xf32>
    %mul3A_403 = arith.mulf %get3A_402, %add3A_399 : vector<16xf32>
    %add3A_404 = arith.addf %add3A_382, %mul3A_403 : vector<16xf32>
    %neg3A_405 = arith.constant 0.000000e+00 : f32
    %neg3A_406 = vector.broadcast %neg3A_405 : f32 to vector<16xf32>
    %neg3A_407 = arith.subf %neg3A_406, %add3A_399 : vector<16xf32>
    %exp3A_408 = math.exp %neg3A_407 : vector<16xf32>
    %add3A_409 = arith.addf %add3A_404, %exp3A_408 : vector<16xf32>
    %get3A_410 = arith.constant 112 : index
    %get3A_411 = tpu.vector_load %arg9[%get3A_410] {strides = array<i32>} : memref<512xf32, #tpu.memory_space<vmem>>, vector<16xf32>,
    %get3A_412 = vector.shape_cast %get3A_411 : vector<16xf32> to vector<16xf32>
    %get3A_413 = arith.constant 112 : index
    %get3A_414 = tpu.vector_load %arg10[%get3A_413] {strides = array<i32>} : memref<512xf32, #tpu.memory_space<vmem>>, vector<16xf32>,
    %get3A_415 = vector.shape_cast %get3A_414 : vector<16xf32> to vector<16xf32>
    %sub3A_416 = arith.subf %get3A_412, %get3A_415 : vector<16xf32>
    %abs3A_417 = math.absf %sub3A_416 : vector<16xf32>
    %get3A_418 = arith.constant 112 : index
    %get3A_419 = tpu.vector_load %arg11[%get3A_418] {strides = array<i32>} : memref<512xf32, #tpu.memory_space<vmem>>, vector<16xf32>,
    %get3A_420 = vector.shape_cast %get3A_419 : vector<16xf32> to vector<16xf32>
    %get3A_421 = arith.constant 112 : index
    %get3A_422 = tpu.vector_load %arg12[%get3A_421] {strides = array<i32>} : memref<512xf32, #tpu.memory_space<vmem>>, vector<16xf32>,
    %get3A_423 = vector.shape_cast %get3A_422 : vector<16xf32> to vector<16xf32>
    %sub3A_424 = arith.subf %get3A_420, %get3A_423 : vector<16xf32>
    %abs3A_425 = math.absf %sub3A_424 : vector<16xf32>
    %add3A_426 = arith.addf %abs3A_417, %abs3A_425 : vector<16xf32>
    %get3A_427 = arith.constant 112 : index
    %get3A_428 = tpu.vector_load %arg13[%get3A_427] {strides = array<i32>} : memref<512xf32, #tpu.memory_space<vmem>>, vector<16xf32>,
    %get3A_429 = vector.shape_cast %get3A_428 : vector<16xf32> to vector<16xf32>
    %mul3A_430 = arith.mulf %get3A_429, %add3A_426 : vector<16xf32>
    %add3A_431 = arith.addf %add3A_409, %mul3A_430 : vector<16xf32>
    %neg3A_432 = arith.constant 0.000000e+00 : f32
    %neg3A_433 = vector.broadcast %neg3A_432 : f32 to vector<16xf32>
    %neg3A_434 = arith.subf %neg3A_433, %add3A_426 : vector<16xf32>
    %exp3A_435 = math.exp %neg3A_434 : vector<16xf32>
    %add3A_436 = arith.addf %add3A_431, %exp3A_435 : vector<16xf32>
    %get3A_437 = arith.constant 128 : index
    %get3A_438 = tpu.vector_load %arg9[%get3A_437] {strides = array<i32>} : memref<512xf32, #tpu.memory_space<vmem>>, vector<16xf32>,
    %get3A_439 = vector.shape_cast %get3A_438 : vector<16xf32> to vector<16xf32>
    %get3A_440 = arith.constant 128 : index
    %get3A_441 = tpu.vector_load %arg10[%get3A_440] {strides = array<i32>} : memref<512xf32, #tpu.memory_space<vmem>>, vector<16xf32>,
    %get3A_442 = vector.shape_cast %get3A_441 : vector<16xf32> to vector<16xf32>
    %sub3A_443 = arith.subf %get3A_439, %get3A_442 : vector<16xf32>
    %abs3A_444 = math.absf %sub3A_443 : vector<16xf32>
    %get3A_445 = arith.constant 128 : index
    %get3A_446 = tpu.vector_load %arg11[%get3A_445] {strides = array<i32>} : memref<512xf32, #tpu.memory_space<vmem>>, vector<16xf32>,
    %get3A_447 = vector.shape_cast %get3A_446 : vector<16xf32> to vector<16xf32>
    %get3A_448 = arith.constant 128 : index
    %get3A_449 = tpu.vector_load %arg12[%get3A_448] {strides = array<i32>} : memref<512xf32, #tpu.memory_space<vmem>>, vector<16xf32>,
    %get3A_450 = vector.shape_cast %get3A_449 : vector<16xf32> to vector<16xf32>
    %sub3A_451 = arith.subf %get3A_447, %get3A_450 : vector<16xf32>
    %abs3A_452 = math.absf %sub3A_451 : vector<16xf32>
    %add3A_453 = arith.addf %abs3A_444, %abs3A_452 : vector<16xf32>
    %get3A_454 = arith.constant 128 : index
    %get3A_455 = tpu.vector_load %arg13[%get3A_454] {strides = array<i32>} : memref<512xf32, #tpu.memory_space<vmem>>, vector<16xf32>,
    %get3A_456 = vector.shape_cast %get3A_455 : vector<16xf32> to vector<16xf32>
    %mul3A_457 = arith.mulf %get3A_456, %add3A_453 : vector<16xf32>
    %add3A_458 = arith.addf %add3A_436, %mul3A_457 : vector<16xf32>
    %neg3A_459 = arith.constant 0.000000e+00 : f32
    %neg3A_460 = vector.broadcast %neg3A_459 : f32 to vector<16xf32>
    %neg3A_461 = arith.subf %neg3A_460, %add3A_453 : vector<16xf32>
    %exp3A_462 = math.exp %neg3A_461 : vector<16xf32>
    %add3A_463 = arith.addf %add3A_458, %exp3A_462 : vector<16xf32>
    %get3A_464 = arith.constant 144 : index
    %get3A_465 = tpu.vector_load %arg9[%get3A_464] {strides = array<i32>} : memref<512xf32, #tpu.memory_space<vmem>>, vector<16xf32>,
    %get3A_466 = vector.shape_cast %get3A_465 : vector<16xf32> to vector<16xf32>
    %get3A_467 = arith.constant 144 : index
    %get3A_468 = tpu.vector_load %arg10[%get3A_467] {strides = array<i32>} : memref<512xf32, #tpu.memory_space<vmem>>, vector<16xf32>,
    %get3A_469 = vector.shape_cast %get3A_468 : vector<16xf32> to vector<16xf32>
    %sub3A_470 = arith.subf %get3A_466, %get3A_469 : vector<16xf32>
    %abs3A_471 = math.absf %sub3A_470 : vector<16xf32>
    %get3A_472 = arith.constant 144 : index
    %get3A_473 = tpu.vector_load %arg11[%get3A_472] {strides = array<i32>} : memref<512xf32, #tpu.memory_space<vmem>>, vector<16xf32>,
    %get3A_474 = vector.shape_cast %get3A_473 : vector<16xf32> to vector<16xf32>
    %get3A_475 = arith.constant 144 : index
    %get3A_476 = tpu.vector_load %arg12[%get3A_475] {strides = array<i32>} : memref<512xf32, #tpu.memory_space<vmem>>, vector<16xf32>,
    %get3A_477 = vector.shape_cast %get3A_476 : vector<16xf32> to vector<16xf32>
    %sub3A_478 = arith.subf %get3A_474, %get3A_477 : vector<16xf32>
    %abs3A_479 = math.absf %sub3A_478 : vector<16xf32>
    %add3A_480 = arith.addf %abs3A_471, %abs3A_479 : vector<16xf32>
    %get3A_481 = arith.constant 144 : index
    %get3A_482 = tpu.vector_load %arg13[%get3A_481] {strides = array<i32>} : memref<512xf32, #tpu.memory_space<vmem>>, vector<16xf32>,
    %get3A_483 = vector.shape_cast %get3A_482 : vector<16xf32> to vector<16xf32>
    %mul3A_484 = arith.mulf %get3A_483, %add3A_480 : vector<16xf32>
    %add3A_485 = arith.addf %add3A_463, %mul3A_484 : vector<16xf32>
    %neg3A_486 = arith.constant 0.000000e+00 : f32
    %neg3A_487 = vector.broadcast %neg3A_486 : f32 to vector<16xf32>
    %neg3A_488 = arith.subf %neg3A_487, %add3A_480 : vector<16xf32>
    %exp3A_489 = math.exp %neg3A_488 : vector<16xf32>
    %add3A_490 = arith.addf %add3A_485, %exp3A_489 : vector<16xf32>
    %get3A_491 = arith.constant 160 : index
    %get3A_492 = tpu.vector_load %arg9[%get3A_491] {strides = array<i32>} : memref<512xf32, #tpu.memory_space<vmem>>, vector<16xf32>,
    %get3A_493 = vector.shape_cast %get3A_492 : vector<16xf32> to vector<16xf32>
    %get3A_494 = arith.constant 160 : index
    %get3A_495 = tpu.vector_load %arg10[%get3A_494] {strides = array<i32>} : memref<512xf32, #tpu.memory_space<vmem>>, vector<16xf32>,
    %get3A_496 = vector.shape_cast %get3A_495 : vector<16xf32> to vector<16xf32>
    %sub3A_497 = arith.subf %get3A_493, %get3A_496 : vector<16xf32>
    %abs3A_498 = math.absf %sub3A_497 : vector<16xf32>
    %get3A_499 = arith.constant 160 : index
    %get3A_500 = tpu.vector_load %arg11[%get3A_499] {strides = array<i32>} : memref<512xf32, #tpu.memory_space<vmem>>, vector<16xf32>,
    %get3A_501 = vector.shape_cast %get3A_500 : vector<16xf32> to vector<16xf32>
    %get3A_502 = arith.constant 160 : index
    %get3A_503 = tpu.vector_load %arg12[%get3A_502] {strides = array<i32>} : memref<512xf32, #tpu.memory_space<vmem>>, vector<16xf32>,
    %get3A_504 = vector.shape_cast %get3A_503 : vector<16xf32> to vector<16xf32>
    %sub3A_505 = arith.subf %get3A_501, %get3A_504 : vector<16xf32>
    %abs3A_506 = math.absf %sub3A_505 : vector<16xf32>
    %add3A_507 = arith.addf %abs3A_498, %abs3A_506 : vector<16xf32>
    %get3A_508 = arith.constant 160 : index
    %get3A_509 = tpu.vector_load %arg13[%get3A_508] {strides = array<i32>} : memref<512xf32, #tpu.memory_space<vmem>>, vector<16xf32>,
    %get3A_510 = vector.shape_cast %get3A_509 : vector<16xf32> to vector<16xf32>
    %mul3A_511 = arith.mulf %get3A_510, %add3A_507 : vector<16xf32>
    %add3A_512 = arith.addf %add3A_490, %mul3A_511 : vector<16xf32>
    %neg3A_513 = arith.constant 0.000000e+00 : f32
    %neg3A_514 = vector.broadcast %neg3A_513 : f32 to vector<16xf32>
    %neg3A_515 = arith.subf %neg3A_514, %add3A_507 : vector<16xf32>
    %exp3A_516 = math.exp %neg3A_515 : vector<16xf32>
    %add3A_517 = arith.addf %add3A_512, %exp3A_516 : vector<16xf32>
    %get3A_518 = arith.constant 176 : index
    %get3A_519 = tpu.vector_load %arg9[%get3A_518] {strides = array<i32>} : memref<512xf32, #tpu.memory_space<vmem>>, vector<16xf32>,
    %get3A_520 = vector.shape_cast %get3A_519 : vector<16xf32> to vector<16xf32>
    %get3A_521 = arith.constant 176 : index
    %get3A_522 = tpu.vector_load %arg10[%get3A_521] {strides = array<i32>} : memref<512xf32, #tpu.memory_space<vmem>>, vector<16xf32>,
    %get3A_523 = vector.shape_cast %get3A_522 : vector<16xf32> to vector<16xf32>
    %sub3A_524 = arith.subf %get3A_520, %get3A_523 : vector<16xf32>
    %abs3A_525 = math.absf %sub3A_524 : vector<16xf32>
    %get3A_526 = arith.constant 176 : index
    %get3A_527 = tpu.vector_load %arg11[%get3A_526] {strides = array<i32>} : memref<512xf32, #tpu.memory_space<vmem>>, vector<16xf32>,
    %get3A_528 = vector.shape_cast %get3A_527 : vector<16xf32> to vector<16xf32>
    %get3A_529 = arith.constant 176 : index
    %get3A_530 = tpu.vector_load %arg12[%get3A_529] {strides = array<i32>} : memref<512xf32, #tpu.memory_space<vmem>>, vector<16xf32>,
    %get3A_531 = vector.shape_cast %get3A_530 : vector<16xf32> to vector<16xf32>
    %sub3A_532 = arith.subf %get3A_528, %get3A_531 : vector<16xf32>
    %abs3A_533 = math.absf %sub3A_532 : vector<16xf32>
    %add3A_534 = arith.addf %abs3A_525, %abs3A_533 : vector<16xf32>
    %get3A_535 = arith.constant 176 : index
    %get3A_536 = tpu.vector_load %arg13[%get3A_535] {strides = array<i32>} : memref<512xf32, #tpu.memory_space<vmem>>, vector<16xf32>,
    %get3A_537 = vector.shape_cast %get3A_536 : vector<16xf32> to vector<16xf32>
    %mul3A_538 = arith.mulf %get3A_537, %add3A_534 : vector<16xf32>
    %add3A_539 = arith.addf %add3A_517, %mul3A_538 : vector<16xf32>
    %neg3A_540 = arith.constant 0.000000e+00 : f32
    %neg3A_541 = vector.broadcast %neg3A_540 : f32 to vector<16xf32>
    %neg3A_542 = arith.subf %neg3A_541, %add3A_534 : vector<16xf32>
    %exp3A_543 = math.exp %neg3A_542 : vector<16xf32>
    %add3A_544 = arith.addf %add3A_539, %exp3A_543 : vector<16xf32>
    %get3A_545 = arith.constant 192 : index
    %get3A_546 = tpu.vector_load %arg9[%get3A_545] {strides = array<i32>} : memref<512xf32, #tpu.memory_space<vmem>>, vector<16xf32>,
    %get3A_547 = vector.shape_cast %get3A_546 : vector<16xf32> to vector<16xf32>
    %get3A_548 = arith.constant 192 : index
    %get3A_549 = tpu.vector_load %arg10[%get3A_548] {strides = array<i32>} : memref<512xf32, #tpu.memory_space<vmem>>, vector<16xf32>,
    %get3A_550 = vector.shape_cast %get3A_549 : vector<16xf32> to vector<16xf32>
    %sub3A_551 = arith.subf %get3A_547, %get3A_550 : vector<16xf32>
    %abs3A_552 = math.absf %sub3A_551 : vector<16xf32>
    %get3A_553 = arith.constant 192 : index
    %get3A_554 = tpu.vector_load %arg11[%get3A_553] {strides = array<i32>} : memref<512xf32, #tpu.memory_space<vmem>>, vector<16xf32>,
    %get3A_555 = vector.shape_cast %get3A_554 : vector<16xf32> to vector<16xf32>
    %get3A_556 = arith.constant 192 : index
    %get3A_557 = tpu.vector_load %arg12[%get3A_556] {strides = array<i32>} : memref<512xf32, #tpu.memory_space<vmem>>, vector<16xf32>,
    %get3A_558 = vector.shape_cast %get3A_557 : vector<16xf32> to vector<16xf32>
    %sub3A_559 = arith.subf %get3A_555, %get3A_558 : vector<16xf32>
    %abs3A_560 = math.absf %sub3A_559 : vector<16xf32>
    %add3A_561 = arith.addf %abs3A_552, %abs3A_560 : vector<16xf32>
    %get3A_562 = arith.constant 192 : index
    %get3A_563 = tpu.vector_load %arg13[%get3A_562] {strides = array<i32>} : memref<512xf32, #tpu.memory_space<vmem>>, vector<16xf32>,
    %get3A_564 = vector.shape_cast %get3A_563 : vector<16xf32> to vector<16xf32>
    %mul3A_565 = arith.mulf %get3A_564, %add3A_561 : vector<16xf32>
    %add3A_566 = arith.addf %add3A_544, %mul3A_565 : vector<16xf32>
    %neg3A_567 = arith.constant 0.000000e+00 : f32
    %neg3A_568 = vector.broadcast %neg3A_567 : f32 to vector<16xf32>
    %neg3A_569 = arith.subf %neg3A_568, %add3A_561 : vector<16xf32>
    %exp3A_570 = math.exp %neg3A_569 : vector<16xf32>
    %add3A_571 = arith.addf %add3A_566, %exp3A_570 : vector<16xf32>
    %get3A_572 = arith.constant 208 : index
    %get3A_573 = tpu.vector_load %arg9[%get3A_572] {strides = array<i32>} : memref<512xf32, #tpu.memory_space<vmem>>, vector<16xf32>,
    %get3A_574 = vector.shape_cast %get3A_573 : vector<16xf32> to vector<16xf32>
    %get3A_575 = arith.constant 208 : index
    %get3A_576 = tpu.vector_load %arg10[%get3A_575] {strides = array<i32>} : memref<512xf32, #tpu.memory_space<vmem>>, vector<16xf32>,
    %get3A_577 = vector.shape_cast %get3A_576 : vector<16xf32> to vector<16xf32>
    %sub3A_578 = arith.subf %get3A_574, %get3A_577 : vector<16xf32>
    %abs3A_579 = math.absf %sub3A_578 : vector<16xf32>
    %get3A_580 = arith.constant 208 : index
    %get3A_581 = tpu.vector_load %arg11[%get3A_580] {strides = array<i32>} : memref<512xf32, #tpu.memory_space<vmem>>, vector<16xf32>,
    %get3A_582 = vector.shape_cast %get3A_581 : vector<16xf32> to vector<16xf32>
    %get3A_583 = arith.constant 208 : index
    %get3A_584 = tpu.vector_load %arg12[%get3A_583] {strides = array<i32>} : memref<512xf32, #tpu.memory_space<vmem>>, vector<16xf32>,
    %get3A_585 = vector.shape_cast %get3A_584 : vector<16xf32> to vector<16xf32>
    %sub3A_586 = arith.subf %get3A_582, %get3A_585 : vector<16xf32>
    %abs3A_587 = math.absf %sub3A_586 : vector<16xf32>
    %add3A_588 = arith.addf %abs3A_579, %abs3A_587 : vector<16xf32>
    %get3A_589 = arith.constant 208 : index
    %get3A_590 = tpu.vector_load %arg13[%get3A_589] {strides = array<i32>} : memref<512xf32, #tpu.memory_space<vmem>>, vector<16xf32>,
    %get3A_591 = vector.shape_cast %get3A_590 : vector<16xf32> to vector<16xf32>
    %mul3A_592 = arith.mulf %get3A_591, %add3A_588 : vector<16xf32>
    %add3A_593 = arith.addf %add3A_571, %mul3A_592 : vector<16xf32>
    %neg3A_594 = arith.constant 0.000000e+00 : f32
    %neg3A_595 = vector.broadcast %neg3A_594 : f32 to vector<16xf32>
    %neg3A_596 = arith.subf %neg3A_595, %add3A_588 : vector<16xf32>
    %exp3A_597 = math.exp %neg3A_596 : vector<16xf32>
    %add3A_598 = arith.addf %add3A_593, %exp3A_597 : vector<16xf32>
    %get3A_599 = arith.constant 224 : index
    %get3A_600 = tpu.vector_load %arg9[%get3A_599] {strides = array<i32>} : memref<512xf32, #tpu.memory_space<vmem>>, vector<16xf32>,
    %get3A_601 = vector.shape_cast %get3A_600 : vector<16xf32> to vector<16xf32>
    %get3A_602 = arith.constant 224 : index
    %get3A_603 = tpu.vector_load %arg10[%get3A_602] {strides = array<i32>} : memref<512xf32, #tpu.memory_space<vmem>>, vector<16xf32>,
    %get3A_604 = vector.shape_cast %get3A_603 : vector<16xf32> to vector<16xf32>
    %sub3A_605 = arith.subf %get3A_601, %get3A_604 : vector<16xf32>
    %abs3A_606 = math.absf %sub3A_605 : vector<16xf32>
    %get3A_607 = arith.constant 224 : index
    %get3A_608 = tpu.vector_load %arg11[%get3A_607] {strides = array<i32>} : memref<512xf32, #tpu.memory_space<vmem>>, vector<16xf32>,
    %get3A_609 = vector.shape_cast %get3A_608 : vector<16xf32> to vector<16xf32>
    %get3A_610 = arith.constant 224 : index
    %get3A_611 = tpu.vector_load %arg12[%get3A_610] {strides = array<i32>} : memref<512xf32, #tpu.memory_space<vmem>>, vector<16xf32>,
    %get3A_612 = vector.shape_cast %get3A_611 : vector<16xf32> to vector<16xf32>
    %sub3A_613 = arith.subf %get3A_609, %get3A_612 : vector<16xf32>
    %abs3A_614 = math.absf %sub3A_613 : vector<16xf32>
    %add3A_615 = arith.addf %abs3A_606, %abs3A_614 : vector<16xf32>
    %get3A_616 = arith.constant 224 : index
    %get3A_617 = tpu.vector_load %arg13[%get3A_616] {strides = array<i32>} : memref<512xf32, #tpu.memory_space<vmem>>, vector<16xf32>,
    %get3A_618 = vector.shape_cast %get3A_617 : vector<16xf32> to vector<16xf32>
    %mul3A_619 = arith.mulf %get3A_618, %add3A_615 : vector<16xf32>
    %add3A_620 = arith.addf %add3A_598, %mul3A_619 : vector<16xf32>
    %neg3A_621 = arith.constant 0.000000e+00 : f32
    %neg3A_622 = vector.broadcast %neg3A_621 : f32 to vector<16xf32>
    %neg3A_623 = arith.subf %neg3A_622, %add3A_615 : vector<16xf32>
    %exp3A_624 = math.exp %neg3A_623 : vector<16xf32>
    %add3A_625 = arith.addf %add3A_620, %exp3A_624 : vector<16xf32>
    %get3A_626 = arith.constant 240 : index
    %get3A_627 = tpu.vector_load %arg9[%get3A_626] {strides = array<i32>} : memref<512xf32, #tpu.memory_space<vmem>>, vector<16xf32>,
    %get3A_628 = vector.shape_cast %get3A_627 : vector<16xf32> to vector<16xf32>
    %get3A_629 = arith.constant 240 : index
    %get3A_630 = tpu.vector_load %arg10[%get3A_629] {strides = array<i32>} : memref<512xf32, #tpu.memory_space<vmem>>, vector<16xf32>,
    %get3A_631 = vector.shape_cast %get3A_630 : vector<16xf32> to vector<16xf32>
    %sub3A_632 = arith.subf %get3A_628, %get3A_631 : vector<16xf32>
    %abs3A_633 = math.absf %sub3A_632 : vector<16xf32>
    %get3A_634 = arith.constant 240 : index
    %get3A_635 = tpu.vector_load %arg11[%get3A_634] {strides = array<i32>} : memref<512xf32, #tpu.memory_space<vmem>>, vector<16xf32>,
    %get3A_636 = vector.shape_cast %get3A_635 : vector<16xf32> to vector<16xf32>
    %get3A_637 = arith.constant 240 : index
    %get3A_638 = tpu.vector_load %arg12[%get3A_637] {strides = array<i32>} : memref<512xf32, #tpu.memory_space<vmem>>, vector<16xf32>,
    %get3A_639 = vector.shape_cast %get3A_638 : vector<16xf32> to vector<16xf32>
    %sub3A_640 = arith.subf %get3A_636, %get3A_639 : vector<16xf32>
    %abs3A_641 = math.absf %sub3A_640 : vector<16xf32>
    %add3A_642 = arith.addf %abs3A_633, %abs3A_641 : vector<16xf32>
    %get3A_643 = arith.constant 240 : index
    %get3A_644 = tpu.vector_load %arg13[%get3A_643] {strides = array<i32>} : memref<512xf32, #tpu.memory_space<vmem>>, vector<16xf32>,
    %get3A_645 = vector.shape_cast %get3A_644 : vector<16xf32> to vector<16xf32>
    %mul3A_646 = arith.mulf %get3A_645, %add3A_642 : vector<16xf32>
    %add3A_647 = arith.addf %add3A_625, %mul3A_646 : vector<16xf32>
    %neg3A_648 = arith.constant 0.000000e+00 : f32
    %neg3A_649 = vector.broadcast %neg3A_648 : f32 to vector<16xf32>
    %neg3A_650 = arith.subf %neg3A_649, %add3A_642 : vector<16xf32>
    %exp3A_651 = math.exp %neg3A_650 : vector<16xf32>
    %add3A_652 = arith.addf %add3A_647, %exp3A_651 : vector<16xf32>
    %get3A_653 = arith.constant 256 : index
    %get3A_654 = tpu.vector_load %arg9[%get3A_653] {strides = array<i32>} : memref<512xf32, #tpu.memory_space<vmem>>, vector<16xf32>,
    %get3A_655 = vector.shape_cast %get3A_654 : vector<16xf32> to vector<16xf32>
    %get3A_656 = arith.constant 256 : index
    %get3A_657 = tpu.vector_load %arg10[%get3A_656] {strides = array<i32>} : memref<512xf32, #tpu.memory_space<vmem>>, vector<16xf32>,
    %get3A_658 = vector.shape_cast %get3A_657 : vector<16xf32> to vector<16xf32>
    %sub3A_659 = arith.subf %get3A_655, %get3A_658 : vector<16xf32>
    %abs3A_660 = math.absf %sub3A_659 : vector<16xf32>
    %get3A_661 = arith.constant 256 : index
    %get3A_662 = tpu.vector_load %arg11[%get3A_661] {strides = array<i32>} : memref<512xf32, #tpu.memory_space<vmem>>, vector<16xf32>,
    %get3A_663 = vector.shape_cast %get3A_662 : vector<16xf32> to vector<16xf32>
    %get3A_664 = arith.constant 256 : index
    %get3A_665 = tpu.vector_load %arg12[%get3A_664] {strides = array<i32>} : memref<512xf32, #tpu.memory_space<vmem>>, vector<16xf32>,
    %get3A_666 = vector.shape_cast %get3A_665 : vector<16xf32> to vector<16xf32>
    %sub3A_667 = arith.subf %get3A_663, %get3A_666 : vector<16xf32>
    %abs3A_668 = math.absf %sub3A_667 : vector<16xf32>
    %add3A_669 = arith.addf %abs3A_660, %abs3A_668 : vector<16xf32>
    %get3A_670 = arith.constant 256 : index
    %get3A_671 = tpu.vector_load %arg13[%get3A_670] {strides = array<i32>} : memref<512xf32, #tpu.memory_space<vmem>>, vector<16xf32>,
    %get3A_672 = vector.shape_cast %get3A_671 : vector<16xf32> to vector<16xf32>
    %mul3A_673 = arith.mulf %get3A_672, %add3A_669 : vector<16xf32>
    %add3A_674 = arith.addf %add3A_652, %mul3A_673 : vector<16xf32>
    %neg3A_675 = arith.constant 0.000000e+00 : f32
    %neg3A_676 = vector.broadcast %neg3A_675 : f32 to vector<16xf32>
    %neg3A_677 = arith.subf %neg3A_676, %add3A_669 : vector<16xf32>
    %exp3A_678 = math.exp %neg3A_677 : vector<16xf32>
    %add3A_679 = arith.addf %add3A_674, %exp3A_678 : vector<16xf32>
    %get3A_680 = arith.constant 272 : index
    %get3A_681 = tpu.vector_load %arg9[%get3A_680] {strides = array<i32>} : memref<512xf32, #tpu.memory_space<vmem>>, vector<16xf32>,
    %get3A_682 = vector.shape_cast %get3A_681 : vector<16xf32> to vector<16xf32>
    %get3A_683 = arith.constant 272 : index
    %get3A_684 = tpu.vector_load %arg10[%get3A_683] {strides = array<i32>} : memref<512xf32, #tpu.memory_space<vmem>>, vector<16xf32>,
    %get3A_685 = vector.shape_cast %get3A_684 : vector<16xf32> to vector<16xf32>
    %sub3A_686 = arith.subf %get3A_682, %get3A_685 : vector<16xf32>
    %abs3A_687 = math.absf %sub3A_686 : vector<16xf32>
    %get3A_688 = arith.constant 272 : index
    %get3A_689 = tpu.vector_load %arg11[%get3A_688] {strides = array<i32>} : memref<512xf32, #tpu.memory_space<vmem>>, vector<16xf32>,
    %get3A_690 = vector.shape_cast %get3A_689 : vector<16xf32> to vector<16xf32>
    %get3A_691 = arith.constant 272 : index
    %get3A_692 = tpu.vector_load %arg12[%get3A_691] {strides = array<i32>} : memref<512xf32, #tpu.memory_space<vmem>>, vector<16xf32>,
    %get3A_693 = vector.shape_cast %get3A_692 : vector<16xf32> to vector<16xf32>
    %sub3A_694 = arith.subf %get3A_690, %get3A_693 : vector<16xf32>
    %abs3A_695 = math.absf %sub3A_694 : vector<16xf32>
    %add3A_696 = arith.addf %abs3A_687, %abs3A_695 : vector<16xf32>
    %get3A_697 = arith.constant 272 : index
    %get3A_698 = tpu.vector_load %arg13[%get3A_697] {strides = array<i32>} : memref<512xf32, #tpu.memory_space<vmem>>, vector<16xf32>,
    %get3A_699 = vector.shape_cast %get3A_698 : vector<16xf32> to vector<16xf32>
    %mul3A_700 = arith.mulf %get3A_699, %add3A_696 : vector<16xf32>
    %add3A_701 = arith.addf %add3A_679, %mul3A_700 : vector<16xf32>
    %neg3A_702 = arith.constant 0.000000e+00 : f32
    %neg3A_703 = vector.broadcast %neg3A_702 : f32 to vector<16xf32>
    %neg3A_704 = arith.subf %neg3A_703, %add3A_696 : vector<16xf32>
    %exp3A_705 = math.exp %neg3A_704 : vector<16xf32>
    %add3A_706 = arith.addf %add3A_701, %exp3A_705 : vector<16xf32>
    %get3A_707 = arith.constant 288 : index
    %get3A_708 = tpu.vector_load %arg9[%get3A_707] {strides = array<i32>} : memref<512xf32, #tpu.memory_space<vmem>>, vector<16xf32>,
    %get3A_709 = vector.shape_cast %get3A_708 : vector<16xf32> to vector<16xf32>
    %get3A_710 = arith.constant 288 : index
    %get3A_711 = tpu.vector_load %arg10[%get3A_710] {strides = array<i32>} : memref<512xf32, #tpu.memory_space<vmem>>, vector<16xf32>,
    %get3A_712 = vector.shape_cast %get3A_711 : vector<16xf32> to vector<16xf32>
    %sub3A_713 = arith.subf %get3A_709, %get3A_712 : vector<16xf32>
    %abs3A_714 = math.absf %sub3A_713 : vector<16xf32>
    %get3A_715 = arith.constant 288 : index
    %get3A_716 = tpu.vector_load %arg11[%get3A_715] {strides = array<i32>} : memref<512xf32, #tpu.memory_space<vmem>>, vector<16xf32>,
    %get3A_717 = vector.shape_cast %get3A_716 : vector<16xf32> to vector<16xf32>
    %get3A_718 = arith.constant 288 : index
    %get3A_719 = tpu.vector_load %arg12[%get3A_718] {strides = array<i32>} : memref<512xf32, #tpu.memory_space<vmem>>, vector<16xf32>,
    %get3A_720 = vector.shape_cast %get3A_719 : vector<16xf32> to vector<16xf32>
    %sub3A_721 = arith.subf %get3A_717, %get3A_720 : vector<16xf32>
    %abs3A_722 = math.absf %sub3A_721 : vector<16xf32>
    %add3A_723 = arith.addf %abs3A_714, %abs3A_722 : vector<16xf32>
    %get3A_724 = arith.constant 288 : index
    %get3A_725 = tpu.vector_load %arg13[%get3A_724] {strides = array<i32>} : memref<512xf32, #tpu.memory_space<vmem>>, vector<16xf32>,
    %get3A_726 = vector.shape_cast %get3A_725 : vector<16xf32> to vector<16xf32>
    %mul3A_727 = arith.mulf %get3A_726, %add3A_723 : vector<16xf32>
    %add3A_728 = arith.addf %add3A_706, %mul3A_727 : vector<16xf32>
    %neg3A_729 = arith.constant 0.000000e+00 : f32
    %neg3A_730 = vector.broadcast %neg3A_729 : f32 to vector<16xf32>
    %neg3A_731 = arith.subf %neg3A_730, %add3A_723 : vector<16xf32>
    %exp3A_732 = math.exp %neg3A_731 : vector<16xf32>
    %add3A_733 = arith.addf %add3A_728, %exp3A_732 : vector<16xf32>
    %get3A_734 = arith.constant 304 : index
    %get3A_735 = tpu.vector_load %arg9[%get3A_734] {strides = array<i32>} : memref<512xf32, #tpu.memory_space<vmem>>, vector<16xf32>,
    %get3A_736 = vector.shape_cast %get3A_735 : vector<16xf32> to vector<16xf32>
    %get3A_737 = arith.constant 304 : index
    %get3A_738 = tpu.vector_load %arg10[%get3A_737] {strides = array<i32>} : memref<512xf32, #tpu.memory_space<vmem>>, vector<16xf32>,
    %get3A_739 = vector.shape_cast %get3A_738 : vector<16xf32> to vector<16xf32>
    %sub3A_740 = arith.subf %get3A_736, %get3A_739 : vector<16xf32>
    %abs3A_741 = math.absf %sub3A_740 : vector<16xf32>
    %get3A_742 = arith.constant 304 : index
    %get3A_743 = tpu.vector_load %arg11[%get3A_742] {strides = array<i32>} : memref<512xf32, #tpu.memory_space<vmem>>, vector<16xf32>,
    %get3A_744 = vector.shape_cast %get3A_743 : vector<16xf32> to vector<16xf32>
    %get3A_745 = arith.constant 304 : index
    %get3A_746 = tpu.vector_load %arg12[%get3A_745] {strides = array<i32>} : memref<512xf32, #tpu.memory_space<vmem>>, vector<16xf32>,
    %get3A_747 = vector.shape_cast %get3A_746 : vector<16xf32> to vector<16xf32>
    %sub3A_748 = arith.subf %get3A_744, %get3A_747 : vector<16xf32>
    %abs3A_749 = math.absf %sub3A_748 : vector<16xf32>
    %add3A_750 = arith.addf %abs3A_741, %abs3A_749 : vector<16xf32>
    %get3A_751 = arith.constant 304 : index
    %get3A_752 = tpu.vector_load %arg13[%get3A_751] {strides = array<i32>} : memref<512xf32, #tpu.memory_space<vmem>>, vector<16xf32>,
    %get3A_753 = vector.shape_cast %get3A_752 : vector<16xf32> to vector<16xf32>
    %mul3A_754 = arith.mulf %get3A_753, %add3A_750 : vector<16xf32>
    %add3A_755 = arith.addf %add3A_733, %mul3A_754 : vector<16xf32>
    %neg3A_756 = arith.constant 0.000000e+00 : f32
    %neg3A_757 = vector.broadcast %neg3A_756 : f32 to vector<16xf32>
    %neg3A_758 = arith.subf %neg3A_757, %add3A_750 : vector<16xf32>
    %exp3A_759 = math.exp %neg3A_758 : vector<16xf32>
    %add3A_760 = arith.addf %add3A_755, %exp3A_759 : vector<16xf32>
    %get3A_761 = arith.constant 320 : index
    %get3A_762 = tpu.vector_load %arg9[%get3A_761] {strides = array<i32>} : memref<512xf32, #tpu.memory_space<vmem>>, vector<16xf32>,
    %get3A_763 = vector.shape_cast %get3A_762 : vector<16xf32> to vector<16xf32>
    %get3A_764 = arith.constant 320 : index
    %get3A_765 = tpu.vector_load %arg10[%get3A_764] {strides = array<i32>} : memref<512xf32, #tpu.memory_space<vmem>>, vector<16xf32>,
    %get3A_766 = vector.shape_cast %get3A_765 : vector<16xf32> to vector<16xf32>
    %sub3A_767 = arith.subf %get3A_763, %get3A_766 : vector<16xf32>
    %abs3A_768 = math.absf %sub3A_767 : vector<16xf32>
    %get3A_769 = arith.constant 320 : index
    %get3A_770 = tpu.vector_load %arg11[%get3A_769] {strides = array<i32>} : memref<512xf32, #tpu.memory_space<vmem>>, vector<16xf32>,
    %get3A_771 = vector.shape_cast %get3A_770 : vector<16xf32> to vector<16xf32>
    %get3A_772 = arith.constant 320 : index
    %get3A_773 = tpu.vector_load %arg12[%get3A_772] {strides = array<i32>} : memref<512xf32, #tpu.memory_space<vmem>>, vector<16xf32>,
    %get3A_774 = vector.shape_cast %get3A_773 : vector<16xf32> to vector<16xf32>
    %sub3A_775 = arith.subf %get3A_771, %get3A_774 : vector<16xf32>
    %abs3A_776 = math.absf %sub3A_775 : vector<16xf32>
    %add3A_777 = arith.addf %abs3A_768, %abs3A_776 : vector<16xf32>
    %get3A_778 = arith.constant 320 : index
    %get3A_779 = tpu.vector_load %arg13[%get3A_778] {strides = array<i32>} : memref<512xf32, #tpu.memory_space<vmem>>, vector<16xf32>,
    %get3A_780 = vector.shape_cast %get3A_779 : vector<16xf32> to vector<16xf32>
    %mul3A_781 = arith.mulf %get3A_780, %add3A_777 : vector<16xf32>
    %add3A_782 = arith.addf %add3A_760, %mul3A_781 : vector<16xf32>
    %neg3A_783 = arith.constant 0.000000e+00 : f32
    %neg3A_784 = vector.broadcast %neg3A_783 : f32 to vector<16xf32>
    %neg3A_785 = arith.subf %neg3A_784, %add3A_777 : vector<16xf32>
    %exp3A_786 = math.exp %neg3A_785 : vector<16xf32>
    %add3A_787 = arith.addf %add3A_782, %exp3A_786 : vector<16xf32>
    %get3A_788 = arith.constant 336 : index
    %get3A_789 = tpu.vector_load %arg9[%get3A_788] {strides = array<i32>} : memref<512xf32, #tpu.memory_space<vmem>>, vector<16xf32>,
    %get3A_790 = vector.shape_cast %get3A_789 : vector<16xf32> to vector<16xf32>
    %get3A_791 = arith.constant 336 : index
    %get3A_792 = tpu.vector_load %arg10[%get3A_791] {strides = array<i32>} : memref<512xf32, #tpu.memory_space<vmem>>, vector<16xf32>,
    %get3A_793 = vector.shape_cast %get3A_792 : vector<16xf32> to vector<16xf32>
    %sub3A_794 = arith.subf %get3A_790, %get3A_793 : vector<16xf32>
    %abs3A_795 = math.absf %sub3A_794 : vector<16xf32>
    %get3A_796 = arith.constant 336 : index
    %get3A_797 = tpu.vector_load %arg11[%get3A_796] {strides = array<i32>} : memref<512xf32, #tpu.memory_space<vmem>>, vector<16xf32>,
    %get3A_798 = vector.shape_cast %get3A_797 : vector<16xf32> to vector<16xf32>
    %get3A_799 = arith.constant 336 : index
    %get3A_800 = tpu.vector_load %arg12[%get3A_799] {strides = array<i32>} : memref<512xf32, #tpu.memory_space<vmem>>, vector<16xf32>,
    %get3A_801 = vector.shape_cast %get3A_800 : vector<16xf32> to vector<16xf32>
    %sub3A_802 = arith.subf %get3A_798, %get3A_801 : vector<16xf32>
    %abs3A_803 = math.absf %sub3A_802 : vector<16xf32>
    %add3A_804 = arith.addf %abs3A_795, %abs3A_803 : vector<16xf32>
    %get3A_805 = arith.constant 336 : index
    %get3A_806 = tpu.vector_load %arg13[%get3A_805] {strides = array<i32>} : memref<512xf32, #tpu.memory_space<vmem>>, vector<16xf32>,
    %get3A_807 = vector.shape_cast %get3A_806 : vector<16xf32> to vector<16xf32>
    %mul3A_808 = arith.mulf %get3A_807, %add3A_804 : vector<16xf32>
    %add3A_809 = arith.addf %add3A_787, %mul3A_808 : vector<16xf32>
    %neg3A_810 = arith.constant 0.000000e+00 : f32
    %neg3A_811 = vector.broadcast %neg3A_810 : f32 to vector<16xf32>
    %neg3A_812 = arith.subf %neg3A_811, %add3A_804 : vector<16xf32>
    %exp3A_813 = math.exp %neg3A_812 : vector<16xf32>
    %add3A_814 = arith.addf %add3A_809, %exp3A_813 : vector<16xf32>
    %get3A_815 = arith.constant 352 : index
    %get3A_816 = tpu.vector_load %arg9[%get3A_815] {strides = array<i32>} : memref<512xf32, #tpu.memory_space<vmem>>, vector<16xf32>,
    %get3A_817 = vector.shape_cast %get3A_816 : vector<16xf32> to vector<16xf32>
    %get3A_818 = arith.constant 352 : index
    %get3A_819 = tpu.vector_load %arg10[%get3A_818] {strides = array<i32>} : memref<512xf32, #tpu.memory_space<vmem>>, vector<16xf32>,
    %get3A_820 = vector.shape_cast %get3A_819 : vector<16xf32> to vector<16xf32>
    %sub3A_821 = arith.subf %get3A_817, %get3A_820 : vector<16xf32>
    %abs3A_822 = math.absf %sub3A_821 : vector<16xf32>
    %get3A_823 = arith.constant 352 : index
    %get3A_824 = tpu.vector_load %arg11[%get3A_823] {strides = array<i32>} : memref<512xf32, #tpu.memory_space<vmem>>, vector<16xf32>,
    %get3A_825 = vector.shape_cast %get3A_824 : vector<16xf32> to vector<16xf32>
    %get3A_826 = arith.constant 352 : index
    %get3A_827 = tpu.vector_load %arg12[%get3A_826] {strides = array<i32>} : memref<512xf32, #tpu.memory_space<vmem>>, vector<16xf32>,
    %get3A_828 = vector.shape_cast %get3A_827 : vector<16xf32> to vector<16xf32>
    %sub3A_829 = arith.subf %get3A_825, %get3A_828 : vector<16xf32>
    %abs3A_830 = math.absf %sub3A_829 : vector<16xf32>
    %add3A_831 = arith.addf %abs3A_822, %abs3A_830 : vector<16xf32>
    %get3A_832 = arith.constant 352 : index
    %get3A_833 = tpu.vector_load %arg13[%get3A_832] {strides = array<i32>} : memref<512xf32, #tpu.memory_space<vmem>>, vector<16xf32>,
    %get3A_834 = vector.shape_cast %get3A_833 : vector<16xf32> to vector<16xf32>
    %mul3A_835 = arith.mulf %get3A_834, %add3A_831 : vector<16xf32>
    %add3A_836 = arith.addf %add3A_814, %mul3A_835 : vector<16xf32>
    %neg3A_837 = arith.constant 0.000000e+00 : f32
    %neg3A_838 = vector.broadcast %neg3A_837 : f32 to vector<16xf32>
    %neg3A_839 = arith.subf %neg3A_838, %add3A_831 : vector<16xf32>
    %exp3A_840 = math.exp %neg3A_839 : vector<16xf32>
    %add3A_841 = arith.addf %add3A_836, %exp3A_840 : vector<16xf32>
    %get3A_842 = arith.constant 368 : index
    %get3A_843 = tpu.vector_load %arg9[%get3A_842] {strides = array<i32>} : memref<512xf32, #tpu.memory_space<vmem>>, vector<16xf32>,
    %get3A_844 = vector.shape_cast %get3A_843 : vector<16xf32> to vector<16xf32>
    %get3A_845 = arith.constant 368 : index
    %get3A_846 = tpu.vector_load %arg10[%get3A_845] {strides = array<i32>} : memref<512xf32, #tpu.memory_space<vmem>>, vector<16xf32>,
    %get3A_847 = vector.shape_cast %get3A_846 : vector<16xf32> to vector<16xf32>
    %sub3A_848 = arith.subf %get3A_844, %get3A_847 : vector<16xf32>
    %abs3A_849 = math.absf %sub3A_848 : vector<16xf32>
    %get3A_850 = arith.constant 368 : index
    %get3A_851 = tpu.vector_load %arg11[%get3A_850] {strides = array<i32>} : memref<512xf32, #tpu.memory_space<vmem>>, vector<16xf32>,
    %get3A_852 = vector.shape_cast %get3A_851 : vector<16xf32> to vector<16xf32>
    %get3A_853 = arith.constant 368 : index
    %get3A_854 = tpu.vector_load %arg12[%get3A_853] {strides = array<i32>} : memref<512xf32, #tpu.memory_space<vmem>>, vector<16xf32>,
    %get3A_855 = vector.shape_cast %get3A_854 : vector<16xf32> to vector<16xf32>
    %sub3A_856 = arith.subf %get3A_852, %get3A_855 : vector<16xf32>
    %abs3A_857 = math.absf %sub3A_856 : vector<16xf32>
    %add3A_858 = arith.addf %abs3A_849, %abs3A_857 : vector<16xf32>
    %get3A_859 = arith.constant 368 : index
    %get3A_860 = tpu.vector_load %arg13[%get3A_859] {strides = array<i32>} : memref<512xf32, #tpu.memory_space<vmem>>, vector<16xf32>,
    %get3A_861 = vector.shape_cast %get3A_860 : vector<16xf32> to vector<16xf32>
    %mul3A_862 = arith.mulf %get3A_861, %add3A_858 : vector<16xf32>
    %add3A_863 = arith.addf %add3A_841, %mul3A_862 : vector<16xf32>
    %neg3A_864 = arith.constant 0.000000e+00 : f32
    %neg3A_865 = vector.broadcast %neg3A_864 : f32 to vector<16xf32>
    %neg3A_866 = arith.subf %neg3A_865, %add3A_858 : vector<16xf32>
    %exp3A_867 = math.exp %neg3A_866 : vector<16xf32>
    %add3A_868 = arith.addf %add3A_863, %exp3A_867 : vector<16xf32>
    %get3A_869 = arith.constant 384 : index
    %get3A_870 = tpu.vector_load %arg9[%get3A_869] {strides = array<i32>} : memref<512xf32, #tpu.memory_space<vmem>>, vector<16xf32>,
    %get3A_871 = vector.shape_cast %get3A_870 : vector<16xf32> to vector<16xf32>
    %get3A_872 = arith.constant 384 : index
    %get3A_873 = tpu.vector_load %arg10[%get3A_872] {strides = array<i32>} : memref<512xf32, #tpu.memory_space<vmem>>, vector<16xf32>,
    %get3A_874 = vector.shape_cast %get3A_873 : vector<16xf32> to vector<16xf32>
    %sub3A_875 = arith.subf %get3A_871, %get3A_874 : vector<16xf32>
    %abs3A_876 = math.absf %sub3A_875 : vector<16xf32>
    %get3A_877 = arith.constant 384 : index
    %get3A_878 = tpu.vector_load %arg11[%get3A_877] {strides = array<i32>} : memref<512xf32, #tpu.memory_space<vmem>>, vector<16xf32>,
    %get3A_879 = vector.shape_cast %get3A_878 : vector<16xf32> to vector<16xf32>
    %get3A_880 = arith.constant 384 : index
    %get3A_881 = tpu.vector_load %arg12[%get3A_880] {strides = array<i32>} : memref<512xf32, #tpu.memory_space<vmem>>, vector<16xf32>,
    %get3A_882 = vector.shape_cast %get3A_881 : vector<16xf32> to vector<16xf32>
    %sub3A_883 = arith.subf %get3A_879, %get3A_882 : vector<16xf32>
    %abs3A_884 = math.absf %sub3A_883 : vector<16xf32>
    %add3A_885 = arith.addf %abs3A_876, %abs3A_884 : vector<16xf32>
    %get3A_886 = arith.constant 384 : index
    %get3A_887 = tpu.vector_load %arg13[%get3A_886] {strides = array<i32>} : memref<512xf32, #tpu.memory_space<vmem>>, vector<16xf32>,
    %get3A_888 = vector.shape_cast %get3A_887 : vector<16xf32> to vector<16xf32>
    %mul3A_889 = arith.mulf %get3A_888, %add3A_885 : vector<16xf32>
    %add3A_890 = arith.addf %add3A_868, %mul3A_889 : vector<16xf32>
    %neg3A_891 = arith.constant 0.000000e+00 : f32
    %neg3A_892 = vector.broadcast %neg3A_891 : f32 to vector<16xf32>
    %neg3A_893 = arith.subf %neg3A_892, %add3A_885 : vector<16xf32>
    %exp3A_894 = math.exp %neg3A_893 : vector<16xf32>
    %add3A_895 = arith.addf %add3A_890, %exp3A_894 : vector<16xf32>
    %get3A_896 = arith.constant 400 : index
    %get3A_897 = tpu.vector_load %arg9[%get3A_896] {strides = array<i32>} : memref<512xf32, #tpu.memory_space<vmem>>, vector<16xf32>,
    %get3A_898 = vector.shape_cast %get3A_897 : vector<16xf32> to vector<16xf32>
    %get3A_899 = arith.constant 400 : index
    %get3A_900 = tpu.vector_load %arg10[%get3A_899] {strides = array<i32>} : memref<512xf32, #tpu.memory_space<vmem>>, vector<16xf32>,
    %get3A_901 = vector.shape_cast %get3A_900 : vector<16xf32> to vector<16xf32>
    %sub3A_902 = arith.subf %get3A_898, %get3A_901 : vector<16xf32>
    %abs3A_903 = math.absf %sub3A_902 : vector<16xf32>
    %get3A_904 = arith.constant 400 : index
    %get3A_905 = tpu.vector_load %arg11[%get3A_904] {strides = array<i32>} : memref<512xf32, #tpu.memory_space<vmem>>, vector<16xf32>,
    %get3A_906 = vector.shape_cast %get3A_905 : vector<16xf32> to vector<16xf32>
    %get3A_907 = arith.constant 400 : index
    %get3A_908 = tpu.vector_load %arg12[%get3A_907] {strides = array<i32>} : memref<512xf32, #tpu.memory_space<vmem>>, vector<16xf32>,
    %get3A_909 = vector.shape_cast %get3A_908 : vector<16xf32> to vector<16xf32>
    %sub3A_910 = arith.subf %get3A_906, %get3A_909 : vector<16xf32>
    %abs3A_911 = math.absf %sub3A_910 : vector<16xf32>
    %add3A_912 = arith.addf %abs3A_903, %abs3A_911 : vector<16xf32>
    %get3A_913 = arith.constant 400 : index
    %get3A_914 = tpu.vector_load %arg13[%get3A_913] {strides = array<i32>} : memref<512xf32, #tpu.memory_space<vmem>>, vector<16xf32>,
    %get3A_915 = vector.shape_cast %get3A_914 : vector<16xf32> to vector<16xf32>
    %mul3A_916 = arith.mulf %get3A_915, %add3A_912 : vector<16xf32>
    %add3A_917 = arith.addf %add3A_895, %mul3A_916 : vector<16xf32>
    %neg3A_918 = arith.constant 0.000000e+00 : f32
    %neg3A_919 = vector.broadcast %neg3A_918 : f32 to vector<16xf32>
    %neg3A_920 = arith.subf %neg3A_919, %add3A_912 : vector<16xf32>
    %exp3A_921 = math.exp %neg3A_920 : vector<16xf32>
    %add3A_922 = arith.addf %add3A_917, %exp3A_921 : vector<16xf32>
    %get3A_923 = arith.constant 416 : index
    %get3A_924 = tpu.vector_load %arg9[%get3A_923] {strides = array<i32>} : memref<512xf32, #tpu.memory_space<vmem>>, vector<16xf32>,
    %get3A_925 = vector.shape_cast %get3A_924 : vector<16xf32> to vector<16xf32>
    %get3A_926 = arith.constant 416 : index
    %get3A_927 = tpu.vector_load %arg10[%get3A_926] {strides = array<i32>} : memref<512xf32, #tpu.memory_space<vmem>>, vector<16xf32>,
    %get3A_928 = vector.shape_cast %get3A_927 : vector<16xf32> to vector<16xf32>
    %sub3A_929 = arith.subf %get3A_925, %get3A_928 : vector<16xf32>
    %abs3A_930 = math.absf %sub3A_929 : vector<16xf32>
    %get3A_931 = arith.constant 416 : index
    %get3A_932 = tpu.vector_load %arg11[%get3A_931] {strides = array<i32>} : memref<512xf32, #tpu.memory_space<vmem>>, vector<16xf32>,
    %get3A_933 = vector.shape_cast %get3A_932 : vector<16xf32> to vector<16xf32>
    %get3A_934 = arith.constant 416 : index
    %get3A_935 = tpu.vector_load %arg12[%get3A_934] {strides = array<i32>} : memref<512xf32, #tpu.memory_space<vmem>>, vector<16xf32>,
    %get3A_936 = vector.shape_cast %get3A_935 : vector<16xf32> to vector<16xf32>
    %sub3A_937 = arith.subf %get3A_933, %get3A_936 : vector<16xf32>
    %abs3A_938 = math.absf %sub3A_937 : vector<16xf32>
    %add3A_939 = arith.addf %abs3A_930, %abs3A_938 : vector<16xf32>
    %get3A_940 = arith.constant 416 : index
    %get3A_941 = tpu.vector_load %arg13[%get3A_940] {strides = array<i32>} : memref<512xf32, #tpu.memory_space<vmem>>, vector<16xf32>,
    %get3A_942 = vector.shape_cast %get3A_941 : vector<16xf32> to vector<16xf32>
    %mul3A_943 = arith.mulf %get3A_942, %add3A_939 : vector<16xf32>
    %add3A_944 = arith.addf %add3A_922, %mul3A_943 : vector<16xf32>
    %neg3A_945 = arith.constant 0.000000e+00 : f32
    %neg3A_946 = vector.broadcast %neg3A_945 : f32 to vector<16xf32>
    %neg3A_947 = arith.subf %neg3A_946, %add3A_939 : vector<16xf32>
    %exp3A_948 = math.exp %neg3A_947 : vector<16xf32>
    %add3A_949 = arith.addf %add3A_944, %exp3A_948 : vector<16xf32>
    %get3A_950 = arith.constant 432 : index
    %get3A_951 = tpu.vector_load %arg9[%get3A_950] {strides = array<i32>} : memref<512xf32, #tpu.memory_space<vmem>>, vector<16xf32>,
    %get3A_952 = vector.shape_cast %get3A_951 : vector<16xf32> to vector<16xf32>
    %get3A_953 = arith.constant 432 : index
    %get3A_954 = tpu.vector_load %arg10[%get3A_953] {strides = array<i32>} : memref<512xf32, #tpu.memory_space<vmem>>, vector<16xf32>,
    %get3A_955 = vector.shape_cast %get3A_954 : vector<16xf32> to vector<16xf32>
    %sub3A_956 = arith.subf %get3A_952, %get3A_955 : vector<16xf32>
    %abs3A_957 = math.absf %sub3A_956 : vector<16xf32>
    %get3A_958 = arith.constant 432 : index
    %get3A_959 = tpu.vector_load %arg11[%get3A_958] {strides = array<i32>} : memref<512xf32, #tpu.memory_space<vmem>>, vector<16xf32>,
    %get3A_960 = vector.shape_cast %get3A_959 : vector<16xf32> to vector<16xf32>
    %get3A_961 = arith.constant 432 : index
    %get3A_962 = tpu.vector_load %arg12[%get3A_961] {strides = array<i32>} : memref<512xf32, #tpu.memory_space<vmem>>, vector<16xf32>,
    %get3A_963 = vector.shape_cast %get3A_962 : vector<16xf32> to vector<16xf32>
    %sub3A_964 = arith.subf %get3A_960, %get3A_963 : vector<16xf32>
    %abs3A_965 = math.absf %sub3A_964 : vector<16xf32>
    %add3A_966 = arith.addf %abs3A_957, %abs3A_965 : vector<16xf32>
    %get3A_967 = arith.constant 432 : index
    %get3A_968 = tpu.vector_load %arg13[%get3A_967] {strides = array<i32>} : memref<512xf32, #tpu.memory_space<vmem>>, vector<16xf32>,
    %get3A_969 = vector.shape_cast %get3A_968 : vector<16xf32> to vector<16xf32>
    %mul3A_970 = arith.mulf %get3A_969, %add3A_966 : vector<16xf32>
    %add3A_971 = arith.addf %add3A_949, %mul3A_970 : vector<16xf32>
    %neg3A_972 = arith.constant 0.000000e+00 : f32
    %neg3A_973 = vector.broadcast %neg3A_972 : f32 to vector<16xf32>
    %neg3A_974 = arith.subf %neg3A_973, %add3A_966 : vector<16xf32>
    %exp3A_975 = math.exp %neg3A_974 : vector<16xf32>
    %add3A_976 = arith.addf %add3A_971, %exp3A_975 : vector<16xf32>
    %get3A_977 = arith.constant 448 : index
    %get3A_978 = tpu.vector_load %arg9[%get3A_977] {strides = array<i32>} : memref<512xf32, #tpu.memory_space<vmem>>, vector<16xf32>,
    %get3A_979 = vector.shape_cast %get3A_978 : vector<16xf32> to vector<16xf32>
    %get3A_980 = arith.constant 448 : index
    %get3A_981 = tpu.vector_load %arg10[%get3A_980] {strides = array<i32>} : memref<512xf32, #tpu.memory_space<vmem>>, vector<16xf32>,
    %get3A_982 = vector.shape_cast %get3A_981 : vector<16xf32> to vector<16xf32>
    %sub3A_983 = arith.subf %get3A_979, %get3A_982 : vector<16xf32>
    %abs3A_984 = math.absf %sub3A_983 : vector<16xf32>
    %get3A_985 = arith.constant 448 : index
    %get3A_986 = tpu.vector_load %arg11[%get3A_985] {strides = array<i32>} : memref<512xf32, #tpu.memory_space<vmem>>, vector<16xf32>,
    %get3A_987 = vector.shape_cast %get3A_986 : vector<16xf32> to vector<16xf32>
    %get3A_988 = arith.constant 448 : index
    %get3A_989 = tpu.vector_load %arg12[%get3A_988] {strides = array<i32>} : memref<512xf32, #tpu.memory_space<vmem>>, vector<16xf32>,
    %get3A_990 = vector.shape_cast %get3A_989 : vector<16xf32> to vector<16xf32>
    %sub3A_991 = arith.subf %get3A_987, %get3A_990 : vector<16xf32>
    %abs3A_992 = math.absf %sub3A_991 : vector<16xf32>
    %add3A_993 = arith.addf %abs3A_984, %abs3A_992 : vector<16xf32>
    %get3A_994 = arith.constant 448 : index
    %get3A_995 = tpu.vector_load %arg13[%get3A_994] {strides = array<i32>} : memref<512xf32, #tpu.memory_space<vmem>>, vector<16xf32>,
    %get3A_996 = vector.shape_cast %get3A_995 : vector<16xf32> to vector<16xf32>
    %mul3A_997 = arith.mulf %get3A_996, %add3A_993 : vector<16xf32>
    %add3A_998 = arith.addf %add3A_976, %mul3A_997 : vector<16xf32>
    %neg3A_999 = arith.constant 0.000000e+00 : f32
    %neg3A_1000 = vector.broadcast %neg3A_999 : f32 to vector<16xf32>
    %neg3A_1001 = arith.subf %neg3A_1000, %add3A_993 : vector<16xf32>
    %exp3A_1002 = math.exp %neg3A_1001 : vector<16xf32>
    %add3A_1003 = arith.addf %add3A_998, %exp3A_1002 : vector<16xf32>
    %get3A_1004 = arith.constant 464 : index
    %get3A_1005 = tpu.vector_load %arg9[%get3A_1004] {strides = array<i32>} : memref<512xf32, #tpu.memory_space<vmem>>, vector<16xf32>,
    %get3A_1006 = vector.shape_cast %get3A_1005 : vector<16xf32> to vector<16xf32>
    %get3A_1007 = arith.constant 464 : index
    %get3A_1008 = tpu.vector_load %arg10[%get3A_1007] {strides = array<i32>} : memref<512xf32, #tpu.memory_space<vmem>>, vector<16xf32>,
    %get3A_1009 = vector.shape_cast %get3A_1008 : vector<16xf32> to vector<16xf32>
    %sub3A_1010 = arith.subf %get3A_1006, %get3A_1009 : vector<16xf32>
    %abs3A_1011 = math.absf %sub3A_1010 : vector<16xf32>
    %get3A_1012 = arith.constant 464 : index
    %get3A_1013 = tpu.vector_load %arg11[%get3A_1012] {strides = array<i32>} : memref<512xf32, #tpu.memory_space<vmem>>, vector<16xf32>,
    %get3A_1014 = vector.shape_cast %get3A_1013 : vector<16xf32> to vector<16xf32>
    %get3A_1015 = arith.constant 464 : index
    %get3A_1016 = tpu.vector_load %arg12[%get3A_1015] {strides = array<i32>} : memref<512xf32, #tpu.memory_space<vmem>>, vector<16xf32>,
    %get3A_1017 = vector.shape_cast %get3A_1016 : vector<16xf32> to vector<16xf32>
    %sub3A_1018 = arith.subf %get3A_1014, %get3A_1017 : vector<16xf32>
    %abs3A_1019 = math.absf %sub3A_1018 : vector<16xf32>
    %add3A_1020 = arith.addf %abs3A_1011, %abs3A_1019 : vector<16xf32>
    %get3A_1021 = arith.constant 464 : index
    %get3A_1022 = tpu.vector_load %arg13[%get3A_1021] {strides = array<i32>} : memref<512xf32, #tpu.memory_space<vmem>>, vector<16xf32>,
    %get3A_1023 = vector.shape_cast %get3A_1022 : vector<16xf32> to vector<16xf32>
    %mul3A_1024 = arith.mulf %get3A_1023, %add3A_1020 : vector<16xf32>
    %add3A_1025 = arith.addf %add3A_1003, %mul3A_1024 : vector<16xf32>
    %neg3A_1026 = arith.constant 0.000000e+00 : f32
    %neg3A_1027 = vector.broadcast %neg3A_1026 : f32 to vector<16xf32>
    %neg3A_1028 = arith.subf %neg3A_1027, %add3A_1020 : vector<16xf32>
    %exp3A_1029 = math.exp %neg3A_1028 : vector<16xf32>
    %add3A_1030 = arith.addf %add3A_1025, %exp3A_1029 : vector<16xf32>
    %get3A_1031 = arith.constant 480 : index
    %get3A_1032 = tpu.vector_load %arg9[%get3A_1031] {strides = array<i32>} : memref<512xf32, #tpu.memory_space<vmem>>, vector<16xf32>,
    %get3A_1033 = vector.shape_cast %get3A_1032 : vector<16xf32> to vector<16xf32>
    %get3A_1034 = arith.constant 480 : index
    %get3A_1035 = tpu.vector_load %arg10[%get3A_1034] {strides = array<i32>} : memref<512xf32, #tpu.memory_space<vmem>>, vector<16xf32>,
    %get3A_1036 = vector.shape_cast %get3A_1035 : vector<16xf32> to vector<16xf32>
    %sub3A_1037 = arith.subf %get3A_1033, %get3A_1036 : vector<16xf32>
    %abs3A_1038 = math.absf %sub3A_1037 : vector<16xf32>
    %get3A_1039 = arith.constant 480 : index
    %get3A_1040 = tpu.vector_load %arg11[%get3A_1039] {strides = array<i32>} : memref<512xf32, #tpu.memory_space<vmem>>, vector<16xf32>,
    %get3A_1041 = vector.shape_cast %get3A_1040 : vector<16xf32> to vector<16xf32>
    %get3A_1042 = arith.constant 480 : index
    %get3A_1043 = tpu.vector_load %arg12[%get3A_1042] {strides = array<i32>} : memref<512xf32, #tpu.memory_space<vmem>>, vector<16xf32>,
    %get3A_1044 = vector.shape_cast %get3A_1043 : vector<16xf32> to vector<16xf32>
    %sub3A_1045 = arith.subf %get3A_1041, %get3A_1044 : vector<16xf32>
    %abs3A_1046 = math.absf %sub3A_1045 : vector<16xf32>
    %add3A_1047 = arith.addf %abs3A_1038, %abs3A_1046 : vector<16xf32>
    %get3A_1048 = arith.constant 480 : index
    %get3A_1049 = tpu.vector_load %arg13[%get3A_1048] {strides = array<i32>} : memref<512xf32, #tpu.memory_space<vmem>>, vector<16xf32>,
    %get3A_1050 = vector.shape_cast %get3A_1049 : vector<16xf32> to vector<16xf32>
    %mul3A_1051 = arith.mulf %get3A_1050, %add3A_1047 : vector<16xf32>
    %add3A_1052 = arith.addf %add3A_1030, %mul3A_1051 : vector<16xf32>
    %neg3A_1053 = arith.constant 0.000000e+00 : f32
    %neg3A_1054 = vector.broadcast %neg3A_1053 : f32 to vector<16xf32>
    %neg3A_1055 = arith.subf %neg3A_1054, %add3A_1047 : vector<16xf32>
    %exp3A_1056 = math.exp %neg3A_1055 : vector<16xf32>
    %add3A_1057 = arith.addf %add3A_1052, %exp3A_1056 : vector<16xf32>
    %get3A_1058 = arith.constant 496 : index
    %get3A_1059 = tpu.vector_load %arg9[%get3A_1058] {strides = array<i32>} : memref<512xf32, #tpu.memory_space<vmem>>, vector<16xf32>,
    %get3A_1060 = vector.shape_cast %get3A_1059 : vector<16xf32> to vector<16xf32>
    %get3A_1061 = arith.constant 496 : index
    %get3A_1062 = tpu.vector_load %arg10[%get3A_1061] {strides = array<i32>} : memref<512xf32, #tpu.memory_space<vmem>>, vector<16xf32>,
    %get3A_1063 = vector.shape_cast %get3A_1062 : vector<16xf32> to vector<16xf32>
    %sub3A_1064 = arith.subf %get3A_1060, %get3A_1063 : vector<16xf32>
    %abs3A_1065 = math.absf %sub3A_1064 : vector<16xf32>
    %get3A_1066 = arith.constant 496 : index
    %get3A_1067 = tpu.vector_load %arg11[%get3A_1066] {strides = array<i32>} : memref<512xf32, #tpu.memory_space<vmem>>, vector<16xf32>,
    %get3A_1068 = vector.shape_cast %get3A_1067 : vector<16xf32> to vector<16xf32>
    %get3A_1069 = arith.constant 496 : index
    %get3A_1070 = tpu.vector_load %arg12[%get3A_1069] {strides = array<i32>} : memref<512xf32, #tpu.memory_space<vmem>>, vector<16xf32>,
    %get3A_1071 = vector.shape_cast %get3A_1070 : vector<16xf32> to vector<16xf32>
    %sub3A_1072 = arith.subf %get3A_1068, %get3A_1071 : vector<16xf32>
    %abs3A_1073 = math.absf %sub3A_1072 : vector<16xf32>
    %add3A_1074 = arith.addf %abs3A_1065, %abs3A_1073 : vector<16xf32>
    %get3A_1075 = arith.constant 496 : index
    %get3A_1076 = tpu.vector_load %arg13[%get3A_1075] {strides = array<i32>} : memref<512xf32, #tpu.memory_space<vmem>>, vector<16xf32>,
    %get3A_1077 = vector.shape_cast %get3A_1076 : vector<16xf32> to vector<16xf32>
    %mul3A_1078 = arith.mulf %get3A_1077, %add3A_1074 : vector<16xf32>
    %add3A_1079 = arith.addf %add3A_1057, %mul3A_1078 : vector<16xf32>
    %neg3A_1080 = arith.constant 0.000000e+00 : f32
    %neg3A_1081 = vector.broadcast %neg3A_1080 : f32 to vector<16xf32>
    %neg3A_1082 = arith.subf %neg3A_1081, %add3A_1074 : vector<16xf32>
    %exp3A_1083 = math.exp %neg3A_1082 : vector<16xf32>
    %add3A_1084 = arith.addf %add3A_1079, %exp3A_1083 : vector<16xf32>
    %swap3A = arith.constant 0 : index
    %swap3A_1085 = tpu.vector_load %arg14[%swap3A] {strides = array<i32>} : memref<16xf32, #tpu.memory_space<vmem>>, vector<16xf32>,
    %swap3A_1086 = vector.shape_cast %swap3A_1085 : vector<16xf32> to vector<16xf32>
    %swap3A_1087 = vector.shape_cast %add3A_1084 : vector<16xf32> to vector<16xf32>
    tpu.vector_store %arg14[%swap3A], %swap3A_1087 {strides = array<i32>} : memref<16xf32, #tpu.memory_space<vmem>>, vector<16xf32>,
    %mul3A_1088 = arith.constant 16 : i32
    %mul3A_1089 = arith.muli %add3A, %mul3A_1088 : i32
    "tpu.region"() ({
      %run_scoped3A = tpu.sem_alloc : memref<!tpu.dma_semaphore, #tpu.memory_space<semaphore_mem>>
      %dma_start3A_1090 = tpu.memref_slice %arg6[%mul3A_1089] : memref<512xf32, #tpu.memory_space<hbm>> -> memref<16xf32, #tpu.memory_space<hbm>>
      %dma_start3A_1091 = tpu.memref_slice %arg6[%mul3A_1089] : memref<512xf32, #tpu.memory_space<hbm>> -> memref<16xf32, #tpu.memory_space<hbm>>
      tpu.enqueue_dma source(%arg14 : memref<16xf32, #tpu.memory_space<vmem>>) target(%dma_start3A_1091 : memref<16xf32, #tpu.memory_space<hbm>>) target_semaphore(%run_scoped3A : memref<!tpu.dma_semaphore, #tpu.memory_space<semaphore_mem>>)
      %dma_wait3A_1092 = tpu.memref_slice %arg6[%mul3A_1089] : memref<512xf32, #tpu.memory_space<hbm>> -> memref<16xf32, #tpu.memory_space<hbm>>
      %dma_wait3A_1093 = tpu.memref_slice %arg6[%mul3A_1089] : memref<512xf32, #tpu.memory_space<hbm>> -> memref<16xf32, #tpu.memory_space<hbm>>
      tpu.wait_dma2 semaphore(%run_scoped3A : memref<!tpu.dma_semaphore, #tpu.memory_space<semaphore_mem>>) src(%arg14 : memref<16xf32, #tpu.memory_space<vmem>>) dst(%dma_wait3A_1093 : memref<16xf32, #tpu.memory_space<hbm>>)
      tpu.yield
    }) : () -> ()
    return
  }
}

module attributes {stable_mosaic.version = 14 : i64} {
  func.func @_tc_project_body(%arg0: i32, %arg1: memref<2x7xf32, #tpu.memory_space<vmem>>, %arg2: memref<7x262144xf32, #tpu.memory_space<vmem>>, %arg3: memref<2048x128xf32, #tpu.memory_space<vmem>>, %arg4: memref<2048x128xf32, #tpu.memory_space<vmem>>) attributes {dimension_semantics = [#tpu.dimension_semantics<arbitrary>], iteration_bounds = array<i64: 4>, scalar_prefetch = 0 : i64, scratch_operands = 0 : i64, tpu.core_type = #tpu.core_type<tc>, window_params = [{pipeline_mode = #tpu.pipeline_mode<synchronous>, transform_indices = @transform_0, window_bounds = array<i64: 2, 7>}, {transform_indices = @transform_1, window_bounds = array<i64: 7, 262144>}, {transform_indices = @transform_2, window_bounds = array<i64: 2048, 128>}, {transform_indices = @transform_3, window_bounds = array<i64: 2048, 128>}]} {
    %get3A = arith.constant 0 : index
    %get3A_0 = arith.constant 0 : index
    %get3A_1 = vector.load %arg1[%get3A, %get3A_0] : memref<2x7xf32, #tpu.memory_space<vmem>>, vector<2x7xf32>
    %reduce_max3A = arith.constant dense<0xFF800000> : vector<2xf32>
    %reduce_max3A_2 = vector.multi_reduction <maximumf>, %get3A_1, %reduce_max3A [1] : vector<2x7xf32> to vector<2xf32>
    %broadcast_in_dim3A = vector.shape_cast %reduce_max3A_2 : vector<2xf32> to vector<2x1xf32>
    %sub3A = vector.broadcast %broadcast_in_dim3A : vector<2x1xf32> to vector<2x7xf32>
    %sub3A_3 = arith.subf %get3A_1, %sub3A : vector<2x7xf32>
    %exp3A = math.exp %sub3A_3 : vector<2x7xf32>
    %reduce_sum3A = arith.constant dense<0.000000e+00> : vector<2xf32>
    %reduce_sum3A_4 = vector.multi_reduction <add>, %exp3A, %reduce_sum3A [1] : vector<2x7xf32> to vector<2xf32>
    %broadcast_in_dim3A_5 = vector.shape_cast %reduce_sum3A_4 : vector<2xf32> to vector<2x1xf32>
    %div3A = vector.broadcast %broadcast_in_dim3A_5 : vector<2x1xf32> to vector<2x7xf32>
    %div3A_6 = arith.divf %exp3A, %div3A : vector<2x7xf32>
    %reduce_max3A_7 = arith.constant dense<0xFF800000> : vector<2xf32>
    %reduce_max3A_8 = vector.multi_reduction <maximumf>, %div3A_6, %reduce_max3A_7 [1] : vector<2x7xf32> to vector<2xf32>
    %broadcast_in_dim3A_9 = vector.shape_cast %reduce_max3A_8 : vector<2xf32> to vector<2x1xf32>
    %sub3A_10 = vector.broadcast %broadcast_in_dim3A_9 : vector<2x1xf32> to vector<2x7xf32>
    %sub3A_11 = arith.subf %div3A_6, %sub3A_10 : vector<2x7xf32>
    %exp3A_12 = math.exp %sub3A_11 : vector<2x7xf32>
    %reduce_sum3A_13 = arith.constant dense<0.000000e+00> : vector<2xf32>
    %reduce_sum3A_14 = vector.multi_reduction <add>, %exp3A_12, %reduce_sum3A_13 [1] : vector<2x7xf32> to vector<2xf32>
    %broadcast_in_dim3A_15 = vector.shape_cast %reduce_sum3A_14 : vector<2xf32> to vector<2x1xf32>
    %div3A_16 = vector.broadcast %broadcast_in_dim3A_15 : vector<2x1xf32> to vector<2x7xf32>
    %div3A_17 = arith.divf %exp3A_12, %div3A_16 : vector<2x7xf32>
    %get3A_18 = arith.constant 0 : index
    %get3A_19 = arith.constant 0 : index
    %get3A_20 = vector.load %arg2[%get3A_18, %get3A_19] : memref<7x262144xf32, #tpu.memory_space<vmem>>, vector<7x262144xf32>
    %mul3A = arith.constant 1.44269502 : f32
    %mul3A_21 = vector.broadcast %mul3A : f32 to vector<7x262144xf32>
    %mul3A_22 = arith.mulf %get3A_20, %mul3A_21 : vector<7x262144xf32>
    %convert_element_type3A = arith.truncf %mul3A_22 : vector<7x262144xf32> to vector<7x262144xbf16>
    %exp23A = math.exp2 %convert_element_type3A : vector<7x262144xbf16>
    %broadcast_in_dim3A_23 = arith.constant 1.000000e+00 : f32
    %broadcast_in_dim3A_24 = vector.broadcast %broadcast_in_dim3A_23 : f32 to vector<1x7xf32>
    %concatenate3A = tpu.concatenate %div3A_17, %broadcast_in_dim3A_24 in 0 : vector<2x7xf32>, vector<1x7xf32> -> vector<3x7xf32>
    %convert_element_type3A_25 = arith.truncf %concatenate3A : vector<3x7xf32> to vector<3x7xbf16>
    %dot_general3A = arith.constant dense<0.000000e+00> : vector<3x262144xf32>
    %dot_general3A_26 = tpu.matmul %convert_element_type3A_25, %exp23A, %dot_general3A {dimension_numbers = #tpu.dot_dimension_numbers<[1], [0], [0], [1], [0, 0, 1, 1], [], []>, transpose_lhs_hint = false} : vector<3x7xbf16>, vector<7x262144xbf16>, vector<3x262144xf32> -> vector<3x262144xf32>
    %slice3A = vector.extract_strided_slice %dot_general3A_26 {offsets = [0, 0], sizes = [1, 262144], strides = [1, 1]} : vector<3x262144xf32> to vector<1x262144xf32>
    %reshape3A = vector.shape_cast %slice3A : vector<1x262144xf32> to vector<2048x128xf32>
    %slice3A_27 = vector.extract_strided_slice %dot_general3A_26 {offsets = [1, 0], sizes = [1, 262144], strides = [1, 1]} : vector<3x262144xf32> to vector<1x262144xf32>
    %reshape3A_28 = vector.shape_cast %slice3A_27 : vector<1x262144xf32> to vector<2048x128xf32>
    %slice3A_29 = vector.extract_strided_slice %dot_general3A_26 {offsets = [2, 0], sizes = [1, 262144], strides = [1, 1]} : vector<3x262144xf32> to vector<1x262144xf32>
    %reshape3A_30 = vector.shape_cast %slice3A_29 : vector<1x262144xf32> to vector<2048x128xf32>
    %div3A_31 = arith.constant 1.000000e+00 : f32
    %div3A_32 = vector.broadcast %div3A_31 : f32 to vector<2048x128xf32>
    %div3A_33 = arith.divf %div3A_32, %reshape3A_30 : vector<2048x128xf32>
    %mul3A_34 = arith.mulf %reshape3A, %div3A_33 : vector<2048x128xf32>
    %swap3A = arith.constant 0 : index
    %swap3A_35 = arith.constant 0 : index
    %swap3A_36 = vector.load %arg3[%swap3A, %swap3A_35] : memref<2048x128xf32, #tpu.memory_space<vmem>>, vector<2048x128xf32>
    tpu.vector_store %arg3[%swap3A, %swap3A_35], %mul3A_34 {strides = array<i32>} : memref<2048x128xf32, #tpu.memory_space<vmem>>, vector<2048x128xf32>,
    %mul3A_37 = arith.mulf %reshape3A_28, %div3A_33 : vector<2048x128xf32>
    %swap3A_38 = arith.constant 0 : index
    %swap3A_39 = arith.constant 0 : index
    %swap3A_40 = vector.load %arg4[%swap3A_38, %swap3A_39] : memref<2048x128xf32, #tpu.memory_space<vmem>>, vector<2048x128xf32>
    tpu.vector_store %arg4[%swap3A_38, %swap3A_39], %mul3A_37 {strides = array<i32>} : memref<2048x128xf32, #tpu.memory_space<vmem>>, vector<2048x128xf32>,
    return
  }
  func.func @transform_0(%arg0: i32) -> (i32, i32) {
    %c0_i32 = arith.constant 0 : i32
    %c0_i32_0 = arith.constant 0 : i32
    %c0_i32_1 = arith.constant 0 : i32
    return %c0_i32, %c0_i32_0 : i32, i32
  }
  func.func @transform_1(%arg0: i32) -> (i32, i32) {
    %c0_i32 = arith.constant 0 : i32
    %c0_i32_0 = arith.constant 0 : i32
    return %c0_i32, %arg0 : i32, i32
  }
  func.func @transform_2(%arg0: i32) -> (i32, i32) {
    %c0_i32 = arith.constant 0 : i32
    %c0_i32_0 = arith.constant 0 : i32
    return %arg0, %c0_i32 : i32, i32
  }
  func.func @transform_3(%arg0: i32) -> (i32, i32) {
    %c0_i32 = arith.constant 0 : i32
    %c0_i32_0 = arith.constant 0 : i32
    return %arg0, %c0_i32 : i32, i32
  }
}

</mosaic_0001>

<sc_bundles>
// kernel: kernel.4.cloned.1.call-start
scs
__scs_entry_jumppad:
0x0: {  	(pc) =	sbr.rel $0x88, $3  }
0x1: {  	(tag) =	ssettag $0x0;
	lr =	simm.s32 $0x1  }
0x2: {  	[smem:$0x3F9D] =	sst lr;
	_ =	strace $0xD0000000  }
0x3: {  	_ = 	snop  }
0x4: {  	_ = 	snop  }
0x5: {  	_ = 	snop  }
0x6: {  	_ = 	snop  }
0x7: {  	_ = 	snop  }
__scs_overlays_trampoline_lowered:
0x8: {  	[smem:$0x3FAC] =	sst s0  }
0x9: {  	[smem:$0x3FAD] =	sst s1  }
0xa: {  	[smem:$0x3FAE] =	sst s2  }
0xb: {  	[smem:$0x3FAF] =	sst s3  }
0xc: {  	[smem:$0x3FB0] =	sst s4  }
0xd: {  	[smem:$0x3FB1] =	sst s5  }
0xe: {  	[smem:$0x3FB2] =	sst s6  }
0xf: {  	[smem:$0x3FB3] =	sst s7  }
0x10: {  	[smem:$0x3FB4] =	sst s8  }
0x11: {  	[smem:$0x3FB5] =	sst s9;
	s0 =	simm.s32 @!p0 $0x0  }
0x12: {  	s1 =	sld [smem:$0x3F9B];
	s0 =	simm.s32 @p0 $0x1  }
0x13: {  	[smem:$0x3FB6] =	sst s0;
	s0 =	simm.s32 @!p1 $0x0  }
0x14: {  	s2 =	sld [smem:$0x3F9A];
	s0 =	simm.s32 @p1 $0x1  }
0x15: {  	[smem:$0x3FB7] =	sst s0;
	s0 =	simm.s32 @!p2 $0x0  }
0x16: {  	s3 =	sld [smem:$0x3FDB];
	s0 =	simm.s32 @p2 $0x1  }
0x17: {  	s4 =	simm.s32 $0x1BF5;
	[smem:$0x3FB9] =	sst s0  }
0x18: {  	s0 =	sld [smem:$0x3F9C];
	_ =	swait.ge [sflag:s4], $0x0  }
0x19: {  	s7 =	sld [smem:$0x3F9D]  }
0x1a: {  	s8 =	sadd.s32 $0xFFFFE003, lr  }
0x1b: {  	s9 =	sadd.s32 $0xFFFFFEF7, lr;
	s5 =	simm.s32 $0xFFFFFFFF;
	p2 =	slt.u32 s8, $0xFFFFF086  }
0x1c: {  	p1 =	slt.u32 s9, $0xF7A;
	s5 =	simm.s32 @!p2 $0x0  }
0x1d: {  	s5 =	simm.s32 @p1 $0x1;
	p0 =	seq.s32 s7, s2  }
0x1e: {  	s7 =	smul.u32 @!p0 $0xF7A, s2;
	p2 =	seq.s32 @!p0 s5, $0x0  }
0x1f: {  	s9 =	smul.u32 $0xF7A, s1;
	s8 =	simm.s32 @!p0 $0x1BF5;
	p2 =	por !p2, p0  }
0x20: {  	[sflag:s8] =	ssyncset.s32 @!p0 $0xFFFFF086;
	s6 =	sadd.s32 @!p0 s3, s7;
	s7 =	simm.s32 @!p0 $0x108  }
0x21: {  	s3 =	sadd.s32 s3, s9;
	s6 =	sadd.s32 @!p0 $0x88, s6;
	s7 =	simm.s32 @p2 $0x1082  }
0x22: {  	[simem:s7], [sflag:s8] =	dma.local @!p0 [hbm:s6], $0xF7A  }
0x23: {  	s9 =	sor.u32 $0xD0000000, s2;
	s6 =	simm.s32 $0x108;
	_ =	swait.ge @!p0 [sflag:s8], $0x0  }
0x24: {  	s3 =	sadd.s32 $0x88, s3;
	s6 =	simm.s32 @!p1 $0x1082;
	[sflag:s4] =	ssyncset.s32 $0xFFFFF086  }
0x25: {  	[simem:s6], [sflag:s4] =	dma.local [hbm:s3], $0xF7A  }
0x26: {  	[smem:$0x3F9D] =	sst s1;
	(tag) =	ssettag s2;
	_ =	strace s9  }
0x27: {  	s1 =	sld [smem:$0x3FAD]  }
0x28: {  	s2 =	sld [smem:$0x3FAE]  }
0x29: {  	s4 =	sld [smem:$0x3FB0]  }
0x2a: {  	p0 =	seq.s32 s5, $0x0;
	s5 =	sld [smem:$0x3FB1]  }
0x2b: {  	s6 =	sld [smem:$0x3FB2]  }
0x2c: {  	s7 =	sld [smem:$0x3FB3]  }
0x2d: {  	s3 =	simm.s32 $0x108;
	s8 =	sld [smem:$0x3FB4]  }
0x2e: {  	s3 =	simm.s32 @!p0 $0x1082;
	s9 =	sld [smem:$0x3FB5]  }
0x2f: {  	lr =	sadd.s32 s0, s3;
	s0 =	sld [smem:$0x3FAC]  }
0x30: {  	s3 =	sld [smem:$0x3FAF]  }
0x31: {  	[smem:$0x3FB8] =	sst s10  }
0x32: {  	s10 =	sld [smem:$0x3FB6];
	_ =	sdelay $0x3  }
0x33: {  	p0 =	seq.s32 s10, $0x1;
	s10 =	sld [smem:$0x3FB8];
	_ =	sdelay $0x3  }
0x34: {  	[smem:$0x3FB8] =	sst s10  }
0x35: {  	s10 =	sld [smem:$0x3FB7];
	_ =	sdelay $0x3  }
0x36: {  	p1 =	seq.s32 s10, $0x1;
	s10 =	sld [smem:$0x3FB8];
	_ =	sdelay $0x3  }
0x37: {  	[smem:$0x3FB8] =	sst s10  }
0x38: {  	s10 =	sld [smem:$0x3FB9]  }
0x39: {  	_ = 	snop;
	(pc) =	sbr.ind lr, $3  }
0x3a: {  	_ = 	snop  }
0x3b: {  	_ = 	snop  }
0x3c: {  	p2 =	seq.s32 s10, $0x1;
	s10 =	sld [smem:$0x3FB8]  }
0x3d: {  	_ =	shalt  }
0x3e: {  	_ =	shalt  }
0x3f: {  	_ =	shalt  }
0x40: {  	_ =	shalt  }
0x41: {  	_ =	shalt  }
0x42: {  	_ =	shalt  }
0x43: {  	_ =	shalt  }
0x44: {  	_ =	shalt  }
0x45: {  	_ =	shalt  }
0x46: {  	_ =	shalt  }
0x47: {  	_ =	shalt  }
0x48: {  	_ =	shalt  }
0x49: {  	_ =	shalt  }
0x4a: {  	_ =	shalt  }
0x4b: {  	_ =	shalt  }
0x4c: {  	_ =	shalt  }
0x4d: {  	_ =	shalt  }
0x4e: {  	_ =	shalt  }
0x4f: {  	_ =	shalt  }
0x50: {  	_ =	shalt  }
0x51: {  	_ =	shalt  }
0x52: {  	_ =	shalt  }
0x53: {  	_ =	shalt  }
0x54: {  	_ =	shalt  }
0x55: {  	_ =	shalt  }
0x56: {  	_ =	shalt  }
0x57: {  	_ =	shalt  }
0x58: {  	_ =	shalt  }
0x59: {  	_ =	shalt  }
0x5a: {  	_ =	shalt  }
0x5b: {  	_ =	shalt  }
0x5c: {  	_ =	shalt  }
0x5d: {  	_ =	shalt  }
0x5e: {  	_ =	shalt  }
0x5f: {  	_ =	shalt  }
0x60: {  	_ =	shalt  }
0x61: {  	_ =	shalt  }
0x62: {  	_ =	shalt  }
0x63: {  	_ =	shalt  }
0x64: {  	_ =	shalt  }
0x65: {  	_ =	shalt  }
0x66: {  	_ =	shalt  }
0x67: {  	_ =	shalt  }
0x68: {  	_ =	shalt  }
0x69: {  	_ =	shalt  }
0x6a: {  	_ =	shalt  }
0x6b: {  	_ =	shalt  }
0x6c: {  	_ =	shalt  }
0x6d: {  	_ =	shalt  }
0x6e: {  	_ =	shalt  }
0x6f: {  	_ =	shalt  }
0x70: {  	_ =	shalt  }
0x71: {  	_ =	shalt  }
0x72: {  	_ =	shalt  }
0x73: {  	_ =	shalt  }
0x74: {  	_ =	shalt  }
0x75: {  	_ =	shalt  }
0x76: {  	_ =	shalt  }
0x77: {  	_ =	shalt  }
0x78: {  	_ =	shalt  }
0x79: {  	_ =	shalt  }
0x7a: {  	_ =	shalt  }
0x7b: {  	_ =	shalt  }
0x7c: {  	_ =	shalt  }
0x7d: {  	_ =	shalt  }
0x7e: {  	_ =	shalt  }
0x7f: {  	_ =	shalt  }
0x80: {  	_ =	shalt  }
0x81: {  	_ =	shalt  }
0x82: {  	_ =	shalt  }
0x83: {  	_ =	shalt  }
0x84: {  	_ =	shalt  }
0x85: {  	_ =	shalt  }
0x86: {  	_ =	shalt  }
0x87: {  	_ =	shalt  }
.Lfunc_end0:
.L_simem_size_0:
called_computation_lowered:
.L_overlay_start_0:
0x88: {  	s2 =	sld [smem:$0x3FD9]  }
0x89: {  	s3 =	sld [smem:$0x3FFE];
	_ =	sdelay $0x1  }
0x8a: {  	s1 =	srdreg.scid  }
0x8b: {  	s0 =	sand.u32 $0x1, s1  }
0x8c: {  	s17 =	sshll.u32 s0, $0xA;
	s2 =	sadd.s32 s3, s2  }
0x8d: {  	s2 =	sadd.s32 s2, s17  }
0x8e: {  	[smem:$0x3FC4] =	sst s2  }
0x8f: {  	_ = 	snop  }
0x90: {  	s2 =	sld [smem:$0x3FC9]  }
0x91: {  	s18 =	sld [smem:$0x3FC8];
	(tm) =	ssettm $0x1  }
0x92: {  	s4 =	sld [smem:$0x3FFB];
	_ =	sdelay $0x3  }
0x93: {  	_ =	strace s4  }
0x94: {  	s4 =	sld [smem:$0x3FFC];
	_ =	sdelay $0x3  }
0x95: {  	_ =	strace s4  }
0x96: {  	s4 =	sld [smem:$0x3FFD];
	_ =	sdelay $0x3  }
0x97: {  	_ =	strace s4  }
0x98: {  	_ =	strace $0x8FFFFFFF  }
0x99: {  	s19 =	sld [smem:$0x3FDB];
	_ =	sdelay $0x1  }
0x9a: {  	s5 =	simm.s32 $_scs_section_size  }
0x9b: {  	s6 =	simm.s32 $_size__tile_overlayer_lowered;
	s7 =	simm.s32 $_tile_overlayer_lowered  }
0x9c: {  	s22 =	simm.s32 $0x1BFF;
	s21 =	sshll.u32 s7, $0x1;
	s4 =	sadd.s32 s5, s19  }
0x9d: {  	s8 =	simm.s32 $0x0;
	s20 =	sshll.u32 s6, $0x1;
	s6 =	sadd.s32 s21, s4  }
0x9e: {  	[timem:s8], [sflag:s22] =	dma.local [hbm:s6], s20  }
0x9f: {  	_ =	swait.ge [sflag:s22], s20  }
0xa0: {  	s5 =	ssub.s32 $0x0, s20;
	[sflag:s22] =	ssyncset.done $0x0  }
0xa1: {  	[sflag:s22] =	ssyncadd.s32 s5;
	_ =	sdelay $0x1  }
0xa2: {  	s23 =	simm.s32 $0x1B8B  }
0xa3: {  	_ =	swait.ge [sflag:s23], $0x1  }
0xa4: {  	[sflag:s23] =	ssyncset.done $0x0  }
0xa5: {  	s25 =	simm.s32 $0x1B8E;
	s24 =	sld [smem:$0x3FFE];
	[sflag:s23] =	ssyncadd.s32 $0xFFFFFFFF  }
0xa6: {  	s26 =	simm.s32 $execute0_lowered;
	[smem:$0x3FD2] =	sst s25  }
0xa7: {  	s6 =	sshll.u32 s26, $0x1;
	_ =	strace $0x80000046;
	[dreg:$0x1] =	wrdreg $0xFFFFFFFF  }
0xa8: {  	s28 =	simm.s32 $_size_execute0_lowered;
	s4 =	sadd.s32 s4, s6;
	[dreg:$0x0] =	wrdreg $0x0  }
0xa9: {  	s6 =	sshll.u32 s28, $0x1;
	[dreg:$0x2] =	wrdreg s4  }
0xaa: {  	[dreg:$0x3] =	wrdreg s6  }
0xab: {  	[dreg:$0x4] =	wrdreg $0xC0  }
0xac: {  	_ =	task [dreg:s8], $0x5FFFF  }
0xad: {  	[dreg:$0x1] =	wrdreg $0xFFFFFFFF  }
0xae: {  	[dreg:$0x0] =	wrdreg $0x60  }
0xaf: {  	[dreg:$0x2] =	wrdreg s24  }
0xb0: {  	[dreg:$0x3] =	wrdreg s2  }
0xb1: {  	[dreg:$0x4] =	wrdreg s18  }
0xb2: {  	[dreg:$0x5] =	wrdreg $0x9  }
0xb3: {  	_ =	task.clear_ibuf [dreg:s8], $0x6FFFF;
	_ =	strace $0x90000046  }
0xb4: {  	s29 =	simm.s32 $0x9;
	_ =	strace $0x80000048  }
0xb5: {  	_ =	swait.ge [sflag:s29], $0x1  }
0xb6: {  	[sflag:s29] =	ssyncadd.s32 $0xFFFFFFFF  }
0xb7: {  	_ =	strace $0x90000048  }
0xb8: {  	_ =	sfence  }
0xb9: {  	s30 =	sld [smem:$0x0];
	_ =	sdelay $0x2  }
0xba: {  	s31 =	sshll.u32 s1, $0xD;
	s1 =	sshrl.u32 s1, $0x2  }
0xbb: {  	s3 =	sand.u32 $0x4000, s31;
	s1 =	sadd.s32 s1, s30  }
0xbc: {  	s0 =	sor.u32 s3, s0;
	s1 =	sshll.u32 s1, $0x11  }
0xbd: {  	s0 =	sor.u32 s1, s0  }
0xbe: {  	s0 =	sadd.s32 $0x8F2B, s0  }
0xbf: {  	[sflag:s0] =	ssyncadd.remote.s32 $0x1  }
0xc0: {  	_ =	sfence.sel $0xFFFF  }
0xc1: {  	[dreg:$0x0] =	wrdreg $0xFFFFFFFF;
	(pc) =	sbr.abs _section_cstart, $3  }
0xc2: {  	[dreg:$0x1] =	wrdreg $0xFFFFFFFF  }
0xc3: {  	_ =	task.clear_ibuf [dreg:s8], $0x2FFFF;
	_ =	strace $0x9FFFFFFF  }
0xc4: {  	(tm) =	ssettm $0x7FFFFFFF  }
0xc5: {  	_ =	shalt  }
tec
execute0_lowered:
.L_overlay_start_1:
0x0: {  	(tag) =	ssettag $0x1  }
0x1: {  	s0 =	rddreg [dreg:$0x0]  }
0x2: {  	s5 =	rddreg [dreg:$0x1]  }
0x3: {  	s11 =	rddreg [dreg:$0x2]  }
0x4: {  	s3 =	srdreg.scid;
	s1 =	stileid.u32  }
0x5: {  	s2 =	simm.s32 $0x0;
	s14 =	simm.s32 $0x200;
	s16 =	simm.s32 $0x280  }
0x6: {  	s17 =	simm.s32 $0x100;
	s18 =	simm.s32 $0x300;
	s19 =	simm.s32 $0x180  }
0x7: {  	s20 =	simm.s32 $0x380;
	s21 =	simm.s32 $0x1;
	s22 =	simm.s32 $0x400  }
0x8: {  	s23 =	simm.s32 $0x800;
	s28 =	simm.s32 $0xC00;
	s29 =	simm.s32 $0x5  }
0x9: {  	s30 =	simm.s32 $0x3;
	s31 =	simm.s32 $0x4;
	s6 =	sand.u32 $0x1, s3  }
0xa: {  	s24 =	sshll.u32 s1, $0x1;
	[smem:$0x7FF] =	sst s2;
	s3 =	sadd.s32 $0x800, s0  }
0xb: {  	s4 =	sadd.s32 $0x20800, s0;
	s12 =	sor.u32 s6, s24;
	_ =	strace $0x80000047  }
0xc: {  	s6 =	ssub.s32 $0x2, s6;
	s24 =	simm.s32 $0x2;
	s7 =	sshll.u32 s12, $0x7  }
0xd: {  	s25 =	sshll.u32 s12, $0x1;
	s9 =	sshrl.u32 s6, $0x1;
	s12 =	sshll.u32 s12, $0x6  }
0xe: {  	s5 =	sadd.s32 s5, s7;
	s0 =	sadd.s32 s25, s0;
	s13 =	ssub.s32 s6, s9  }
0xf: {  	s11 =	sadd.s32 s11, s12;
	s25 =	simm.s32 $0x600;
	s8 =	sadd.s32 $0x10, s5  }
0x10: {  	s26 =	sadd.s32 $0x20, s5;
	s6 =	sadd.s32 $0x30, s5;
	s7 =	sadd.s32 $0x40, s5  }
0x11: {  	s9 =	sadd.s32 $0x60, s5;
	s10 =	sadd.s32 $0x70, s5;
	s12 =	sadd.s32 $0x40800, s0  }
0x12: {  	s13 =	smax.u32 s13, $0x1;
	s0 =	simm.s32 $0xE00;
	[dreg:$0x4] =	wrdreg s8  }
0x13: {  	[dreg:$0x5] =	wrdreg s26;
	s8 =	sadd.s32 $0x50, s5;
	s26 =	simm.s32 $0xA00  }
.LBB2_1:
0x14: {  	[tilespmem:s2], [sflag:$0x1] =	stream.linear.gather [hbm4b:s5+s2], $0x80, $0x38;
	[tilespmem:$0xE10] =	vst v63  }
0x15: {  	s1 =	rddreg [dreg:$0x4]  }
0x16: {  	[tilespmem:s14], [sflag:$0x2] =	stream.linear.gather [hbm4b:s1+s2], $0x80, $0x38;
	[tilespmem:$0xE10] =	vst v63  }
0x17: {  	s15 =	rddreg [dreg:$0x5];
	s1 =	simm.s32 $0x80  }
0x18: {  	[tilespmem:s1], [sflag:$0x1] =	stream.linear.gather [hbm4b:s15+s2], $0x80, $0x38;
	[tilespmem:$0xE10] =	vst v63  }
0x19: {  	_ = 	snop  }
0x1a: {  	[tilespmem:s16], [sflag:$0x2] =	stream.linear.gather [hbm4b:s6+s2], $0x80, $0x38;
	[tilespmem:$0xE10] =	vst v63  }
0x1b: {  	_ = 	snop  }
0x1c: {  	[tilespmem:s17], [sflag:$0x1] =	stream.linear.gather [hbm4b:s7+s2], $0x80, $0x38;
	[tilespmem:$0xE10] =	vst v63  }
0x1d: {  	_ = 	snop  }
0x1e: {  	[tilespmem:s18], [sflag:$0x2] =	stream.linear.gather [hbm4b:s8+s2], $0x80, $0x38;
	[tilespmem:$0xE10] =	vst v63  }
0x1f: {  	_ = 	snop  }
0x20: {  	[tilespmem:s19], [sflag:$0x1] =	stream.linear.gather [hbm4b:s9+s2], $0x80, $0x38;
	[tilespmem:$0xE10] =	vst v63  }
0x21: {  	_ = 	snop  }
0x22: {  	[tilespmem:s20], [sflag:$0x2] =	stream.linear.gather [hbm4b:s10+s2], $0x80, $0x38;
	[tilespmem:$0xE10] =	vst v63  }
0x23: {  	_ =	swait.ge [sflag:s21], $0x80  }
0x24: {  	[sflag:s21] =	ssyncset.done $0x0  }
0x25: {  	[sflag:s21] =	ssyncadd.s32 $0xFFFFFF80  }
0x26: {  	_ =	swait.ge [sflag:s21], $0x80  }
0x27: {  	[sflag:s21] =	ssyncset.done $0x0  }
0x28: {  	[sflag:s21] =	ssyncadd.s32 $0xFFFFFF80  }
0x29: {  	_ =	swait.ge [sflag:s21], $0x80  }
0x2a: {  	[sflag:s21] =	ssyncset.done $0x0  }
0x2b: {  	[sflag:s21] =	ssyncadd.s32 $0xFFFFFF80  }
0x2c: {  	_ =	swait.ge [sflag:s21], $0x80  }
0x2d: {  	[sflag:s21] =	ssyncset.done $0x0  }
0x2e: {  	[sflag:s21] =	ssyncadd.s32 $0xFFFFFF80  }
0x2f: {  	[tilespmem:s22], [sflag:$0x1] =	stream.indirect.gather [hbm4b:s3+s14], $0x1, s2, s14, $0xb8;
	[tilespmem:$0xE10] =	vst v63  }
0x30: {  	_ = 	snop  }
0x31: {  	[tilespmem:s23], [sflag:$0x3] =	stream.indirect.gather [hbm4b:s4+s14], $0x1, s2, s14, $0xb8;
	[tilespmem:$0xE10] =	vst v63  }
0x32: {  	_ =	swait.ge [sflag:s24], $0x80  }
0x33: {  	[sflag:s24] =	ssyncset.done $0x0  }
0x34: {  	[sflag:s24] =	ssyncadd.s32 $0xFFFFFF80  }
0x35: {  	_ =	swait.ge [sflag:s24], $0x80  }
0x36: {  	[sflag:s24] =	ssyncset.done $0x0  }
0x37: {  	[sflag:s24] =	ssyncadd.s32 $0xFFFFFF80  }
0x38: {  	_ =	swait.ge [sflag:s24], $0x80  }
0x39: {  	[sflag:s24] =	ssyncset.done $0x0  }
0x3a: {  	[sflag:s24] =	ssyncadd.s32 $0xFFFFFF80  }
0x3b: {  	_ =	swait.ge [sflag:s24], $0x80  }
0x3c: {  	[sflag:s24] =	ssyncset.done $0x0  }
0x3d: {  	[sflag:s24] =	ssyncadd.s32 $0xFFFFFF80  }
0x3e: {  	[tilespmem:s25], [sflag:$0x2] =	stream.indirect.gather [hbm4b:s3+s14], $0x1, s14, s14, $0xb8;
	[tilespmem:$0xE10] =	vst v63  }
0x3f: {  	_ = 	snop  }
0x40: {  	[tilespmem:s26], [sflag:$0x4] =	stream.indirect.gather [hbm4b:s4+s14], $0x1, s14, s14, $0xb8;
	[tilespmem:$0xE10] =	vst v63  }
0x41: {  	_ = 	snop  }
0x42: {  	[tilespmem:s28], [sflag:$0x5] =	stream.linear.gather [hbm4b:s11+s2], $0x200, $0x38;
	[tilespmem:$0xE10] =	vst v63  }
0x43: {  	_ =	swait.ge [sflag:s29], $0x200  }
0x44: {  	[sflag:s29] =	ssyncset.done $0x0  }
0x45: {  	[sflag:s29] =	ssyncadd.s32 $0xFFFFFE00  }
0x46: {  	_ =	swait.ge [sflag:s21], $0x200  }
0x47: {  	[sflag:s21] =	ssyncset.done $0x0  }
0x48: {  	[sflag:s21] =	ssyncadd.s32 $0xFFFFFE00  }
0x49: {  	_ =	swait.ge [sflag:s24], $0x200  }
0x4a: {  	[sflag:s24] =	ssyncset.done $0x0  }
0x4b: {  	[sflag:s24] =	ssyncadd.s32 $0xFFFFFE00  }
0x4c: {  	_ =	swait.ge [sflag:s30], $0x200  }
0x4d: {  	[sflag:s30] =	ssyncset.done $0x0  }
0x4e: {  	[sflag:s30] =	ssyncadd.s32 $0xFFFFFE00  }
0x4f: {  	_ =	swait.ge [sflag:s31], $0x200  }
0x50: {  	[sflag:s31] =	ssyncset.done $0x0  }
0x51: {  	[sflag:s31] =	ssyncadd.s32 $0xFFFFFE00  }
0x52: {  	v0 =	vld [tilespmem:$0x400]  }
0x53: {  	v1 =	vld [tilespmem:$0x600]  }
0x54: {  	v2 =	vld [tilespmem:$0x800]  }
0x55: {  	v3 =	vld [tilespmem:$0xA00]  }
0x56: {  	v4 =	vld [tilespmem:$0xC00]  }
0x57: {  	v5 =	vld [tilespmem:$0x410]  }
0x58: {  	v6 =	vld [tilespmem:$0x610]  }
0x59: {  	v7 =	vld [tilespmem:$0x810]  }
0x5a: {  	v8 =	vld [tilespmem:$0xA10]  }
0x5b: {  	v9 =	vld [tilespmem:$0xC10]  }
0x5c: {  	v10 =	vld [tilespmem:$0x420]  }
0x5d: {  	v11 =	vld [tilespmem:$0x620]  }
0x5e: {  	v48 =	vld [tilespmem:$0x820]  }
0x5f: {  	v49 =	vld [tilespmem:$0xA20]  }
0x60: {  	v12 =	vld [tilespmem:$0xC20]  }
0x61: {  	v50 =	vld [tilespmem:$0x430]  }
0x62: {  	v52 =	vld [tilespmem:$0x630]  }
0x63: {  	v13 =	vld [tilespmem:$0x830]  }
0x64: {  	v14 =	vld [tilespmem:$0xA30]  }
0x65: {  	v54 =	vld [tilespmem:$0xC30]  }
0x66: {  	v15 =	vld [tilespmem:$0x440]  }
0x67: {  	v16 =	vld [tilespmem:$0x640]  }
0x68: {  	v56 =	vld [tilespmem:$0x840]  }
0x69: {  	v57 =	vld [tilespmem:$0xA40]  }
0x6a: {  	v17 =	vld [tilespmem:$0xC40];
	v0 =	vsub.f32 v0, v1;
	v47 =	vsub.f32 v2, v3  }
0x6b: {  	v58 =	vld [tilespmem:$0x450]  }
0x6c: {  	v59 =	vld [tilespmem:$0x650];
	v0 =	vand.u32 $0x7FFFFFFF, v0;
	v1 =	vand.u32 $0x7FFFFFFF, v47  }
0x6d: {  	v18 =	vld [tilespmem:$0x850];
	v0 =	vadd.f32 v1, v0  }
0x6e: {  	v62 =	vld [tilespmem:$0xA50];
	v5 =	vsub.f32 v5, v6  }
0x6f: {  	v63 =	vld [tilespmem:$0xC50];
	v51 =	vsub.f32 v7, v8;
	v53 =	vsub.f32 $0.0e+00, v0  }
0x70: {  	v20 =	vld [tilespmem:$0x460]  }
0x71: {  	v24 =	vld [tilespmem:$0x660];
	v5 =	vand.u32 $0x7FFFFFFF, v5;
	v6 =	vand.u32 $0x7FFFFFFF, v51;
	v8 =	vmul.f32 $1.442695020e+00, v53  }
0x72: {  	v26 =	vld [tilespmem:$0x860];
	v5 =	vadd.f32 v6, v5  }
0x73: {  	v28 =	vld [tilespmem:$0xA60];
	v10 =	vsub.f32 v10, v11;
	(erf) = vpow2.f32 v8  }
0x74: {  	v30 =	vld [tilespmem:$0xC60];
	v2 =	vsub.f32 v48, v49;
	v55 =	vsub.f32 $0.0e+00, v5  }
0x75: {  	v31 =	vld [tilespmem:$0x470]  }
0x76: {  	v33 =	vld [tilespmem:$0x670];
	v10 =	vand.u32 $0x7FFFFFFF, v10;
	v2 =	vand.u32 $0x7FFFFFFF, v2;
	v8 =	vmul.f32 $1.442695020e+00, v55  }
0x77: {  	v35 =	vld [tilespmem:$0x870];
	v2 =	vadd.f32 v2, v10  }
0x78: {  	v36 =	vld [tilespmem:$0xA70];
	v61 =	vsub.f32 v13, v14;
	v1 =	vsub.f32 v50, v52;
	(erf) = vpow2.f32 v8  }
0x79: {  	v39 =	vld [tilespmem:$0xC70];
	v0 =	vmul.f32 v0, v4;
	v60 =	vsub.f32 $0.0e+00, v2  }
0x7a: {  	v40 =	vld [tilespmem:$0x480];
	v7 =	vand.u32 $0x7FFFFFFF, v61;
	v1 =	vand.u32 $0x7FFFFFFF, v1  }
0x7b: {  	v43 =	vld [tilespmem:$0x680];
	v1 =	vadd.f32 v7, v1;
	v0 =	vadd.f32 $0.0e+00, v0;
	v4 =	vmul.f32 $1.442695020e+00, v60  }
0x7c: {  	v44 =	vld [tilespmem:$0x880];
	v25 =	vsub.f32 v15, v16;
	v3 =	vsub.f32 v56, v57;
	v5 =	vmul.f32 v5, v9;
	v19 =	vpop (erf)  }
0x7d: {  	v46 =	vld [tilespmem:$0xA80];
	v27 =	vsub.f32 $0.0e+00, v1;
	(erf) = vpow2.f32 v4;
	v0 =	vadd.f32 v19, v0  }
0x7e: {  	v21 =	vld [tilespmem:$0xCA0];
	v3 =	vand.u32 $0x7FFFFFFF, v3;
	v4 =	vand.u32 $0x7FFFFFFF, v25  }
0x7f: {  	v22 =	vld [tilespmem:$0x4B0];
	v3 =	vadd.f32 v3, v4;
	v0 =	vadd.f32 v5, v0;
	v5 =	vmul.f32 $1.442695020e+00, v27  }
0x80: {  	v32 =	vsub.f32 v18, v62;
	v49 =	vld [tilespmem:$0x490];
	v8 =	vsub.f32 v58, v59  }
0x81: {  	v57 =	vld [tilespmem:$0x4A0];
	v34 =	vsub.f32 $0.0e+00, v3;
	v29 =	vpop (erf);
	(erf) = vpow2.f32 v5  }
0x82: {  	v62 =	vld [tilespmem:$0xAA0];
	v10 =	vand.u32 $0x7FFFFFFF, v32;
	v2 =	vmul.f32 v2, v12;
	v8 =	vand.u32 $0x7FFFFFFF, v8  }
0x83: {  	v47 =	vld [tilespmem:$0xC80];
	v38 =	vadd.f32 v10, v8;
	v37 =	vmul.f32 $1.442695020e+00, v34;
	v0 =	vadd.f32 v29, v0  }
0x84: {  	v51 =	vld [tilespmem:$0x690];
	v9 =	vsub.f32 v26, v28;
	v7 =	vsub.f32 v20, v24  }
0x85: {  	v61 =	vld [tilespmem:$0x8A0];
	v42 =	vsub.f32 $0.0e+00, v38;
	(erf) = vpow2.f32 v37;
	v0 =	vadd.f32 v2, v0  }
0x86: {  	v52 =	vld [tilespmem:$0x890];
	v9 =	vand.u32 $0x7FFFFFFF, v9;
	v7 =	vand.u32 $0x7FFFFFFF, v7;
	v41 =	vpop (erf)  }
0x87: {  	v32 =	vld [tilespmem:$0x6C0];
	v1 =	vmul.f32 v1, v54;
	v2 =	vmul.f32 $1.442695020e+00, v42;
	v0 =	vadd.f32 v41, v0  }
0x88: {  	v26 =	vld [tilespmem:$0x8B0];
	v45 =	vadd.f32 v9, v7  }
0x89: {  	v12 =	vsub.f32 v35, v36;
	v28 =	vld [tilespmem:$0xAB0];
	(erf) = vpow2.f32 v2;
	v0 =	vadd.f32 v1, v0  }
0x8a: {  	v35 =	vld [tilespmem:$0xAC0];
	v48 =	vsub.f32 $0.0e+00, v45;
	v4 =	vsub.f32 v31, v33;
	v50 =	vpop (erf)  }
0x8b: {  	v12 =	vand.u32 $0x7FFFFFFF, v12;
	v53 =	vld [tilespmem:$0xA90];
	v3 =	vmul.f32 v3, v17;
	v0 =	vadd.f32 v50, v0  }
0x8c: {  	v24 =	vld [tilespmem:$0x6B0];
	v7 =	vsub.f32 v44, v46;
	v4 =	vand.u32 $0x7FFFFFFF, v4;
	v1 =	vmul.f32 $1.442695020e+00, v48  }
0x8d: {  	v60 =	vld [tilespmem:$0x6A0];
	v54 =	vadd.f32 v12, v4;
	v0 =	vadd.f32 v3, v0  }
0x8e: {  	v20 =	vld [tilespmem:$0x700];
	v36 =	vsub.f32 v26, v28;
	v10 =	vsub.f32 v40, v43;
	(erf) = vpow2.f32 v1;
	v56 =	vpop (erf)  }
0x8f: {  	v55 =	vld [tilespmem:$0xC90];
	v58 =	vmul.f32 v38, v63;
	v59 =	vsub.f32 $0.0e+00, v54;
	v0 =	vadd.f32 v56, v0  }
0x90: {  	v44 =	vld [tilespmem:$0xAD0];
	v7 =	vand.u32 $0x7FFFFFFF, v7;
	v23 =	vsub.f32 v52, v53;
	v10 =	vand.u32 $0x7FFFFFFF, v10  }
0x91: {  	v46 =	vld [tilespmem:$0xCD0];
	v7 =	vadd.f32 v7, v10;
	v5 =	vmul.f32 $1.442695020e+00, v59;
	v0 =	vadd.f32 v58, v0  }
0x92: {  	v26 =	vld [tilespmem:$0x510];
	v6 =	vmul.f32 v45, v30;
	v12 =	vsub.f32 v57, v60;
	v2 =	vsub.f32 v49, v51;
	v63 =	vpop (erf)  }
0x93: {  	v30 =	vld [tilespmem:$0x4C0];
	v25 =	vsub.f32 $0.0e+00, v7;
	(erf) = vpow2.f32 v5;
	v0 =	vadd.f32 v63, v0  }
0x94: {  	v52 =	vld [tilespmem:$0xAE0];
	v4 =	vsub.f32 v61, v62;
	v2 =	vand.u32 $0x7FFFFFFF, v2;
	v5 =	vand.u32 $0x7FFFFFFF, v23  }
0x95: {  	v33 =	vld [tilespmem:$0x8C0];
	v2 =	vadd.f32 v5, v2;
	v0 =	vadd.f32 v6, v0;
	v6 =	vmul.f32 $1.442695020e+00, v25  }
0x96: {  	v40 =	vld [tilespmem:$0x4D0];
	v12 =	vand.u32 $0x7FFFFFFF, v12  }
0x97: {  	v43 =	vld [tilespmem:$0x8D0];
	v4 =	vand.u32 $0x7FFFFFFF, v4;
	v31 =	vsub.f32 $0.0e+00, v2;
	v27 =	vpop (erf);
	(erf) = vpow2.f32 v6  }
0x98: {  	v57 =	vld [tilespmem:$0x6F0];
	v4 =	vadd.f32 v4, v12  }
0x99: {  	v60 =	vld [tilespmem:$0xAF0];
	v1 =	vmul.f32 v54, v39;
	v34 =	vmul.f32 $1.442695020e+00, v31;
	v0 =	vadd.f32 v27, v0  }
0x9a: {  	v8 =	vsub.f32 v30, v32;
	v62 =	vld [tilespmem:$0xCF0];
	v10 =	vsub.f32 v22, v24  }
0x9b: {  	v30 =	vld [tilespmem:$0xB10];
	v39 =	vsub.f32 $0.0e+00, v4;
	(erf) = vpow2.f32 v34;
	v0 =	vadd.f32 v1, v0  }
0x9c: {  	v22 =	vld [tilespmem:$0x900];
	v10 =	vand.u32 $0x7FFFFFFF, v10;
	v12 =	vand.u32 $0x7FFFFFFF, v36;
	v38 =	vpop (erf)  }
0x9d: {  	v24 =	vld [tilespmem:$0xD00];
	v7 =	vmul.f32 v7, v47;
	v1 =	vmul.f32 $1.442695020e+00, v39;
	v0 =	vadd.f32 v38, v0  }
0x9e: {  	v36 =	vld [tilespmem:$0x920];
	v42 =	vadd.f32 v12, v10  }
0x9f: {  	v41 =	vld [tilespmem:$0x6D0];
	(erf) = vpow2.f32 v1;
	v0 =	vadd.f32 v7, v0  }
0xa0: {  	v29 =	vld [tilespmem:$0xCB0];
	v45 =	vsub.f32 $0.0e+00, v42;
	v6 =	vsub.f32 v33, v35;
	v47 =	vpop (erf)  }
0xa1: {  	v49 =	vld [tilespmem:$0x6E0];
	v2 =	vmul.f32 v2, v55;
	v0 =	vadd.f32 v47, v0  }
0xa2: {  	v8 =	vand.u32 $0x7FFFFFFF, v8;
	v48 =	vld [tilespmem:$0x4E0];
	v6 =	vand.u32 $0x7FFFFFFF, v6;
	v1 =	vmul.f32 $1.442695020e+00, v45  }
0xa3: {  	v50 =	vld [tilespmem:$0x8E0];
	v51 =	vadd.f32 v6, v8;
	v0 =	vadd.f32 v2, v0  }
0xa4: {  	v37 =	vld [tilespmem:$0xCC0];
	v10 =	vsub.f32 v43, v44;
	v15 =	vsub.f32 v40, v41;
	(erf) = vpow2.f32 v1;
	v53 =	vpop (erf)  }
0xa5: {  	v44 =	vld [tilespmem:$0x930];
	v4 =	vmul.f32 v4, v21;
	v55 =	vsub.f32 $0.0e+00, v51;
	v0 =	vadd.f32 v53, v0  }
0xa6: {  	v10 =	vand.u32 $0x7FFFFFFF, v10;
	v15 =	vand.u32 $0x7FFFFFFF, v15;
	v56 =	vld [tilespmem:$0x4F0]  }
0xa7: {  	v61 =	vadd.f32 v10, v15;
	v58 =	vld [tilespmem:$0x8F0];
	v6 =	vmul.f32 $1.442695020e+00, v55;
	v0 =	vadd.f32 v4, v0  }
0xa8: {  	v54 =	vld [tilespmem:$0xCE0];
	v3 =	vsub.f32 v48, v49;
	v5 =	vmul.f32 v42, v29;
	v2 =	vsub.f32 v50, v52;
	v59 =	vpop (erf)  }
0xa9: {  	v40 =	vld [tilespmem:$0xD20];
	v19 =	vsub.f32 $0.0e+00, v61;
	(erf) = vpow2.f32 v6;
	v0 =	vadd.f32 v59, v0  }
0xaa: {  	v23 =	vld [tilespmem:$0xB00];
	v3 =	vand.u32 $0x7FFFFFFF, v3;
	v2 =	vand.u32 $0x7FFFFFFF, v2  }
0xab: {  	v63 =	vld [tilespmem:$0x500];
	v2 =	vadd.f32 v2, v3;
	v0 =	vadd.f32 v5, v0;
	v5 =	vmul.f32 $1.442695020e+00, v19  }
0xac: {  	v41 =	vld [tilespmem:$0x530];
	v12 =	vsub.f32 v56, v57;
	v4 =	vsub.f32 v58, v60  }
0xad: {  	v48 =	vld [tilespmem:$0xD30];
	v25 =	vsub.f32 $0.0e+00, v2;
	v21 =	vpop (erf);
	(erf) = vpow2.f32 v5  }
0xae: {  	v49 =	vld [tilespmem:$0x540];
	v12 =	vand.u32 $0x7FFFFFFF, v12;
	v1 =	vmul.f32 v51, v37;
	v4 =	vand.u32 $0x7FFFFFFF, v4  }
0xaf: {  	v29 =	vld [tilespmem:$0x910];
	v28 =	vmul.f32 $1.442695020e+00, v25;
	v4 =	vadd.f32 v4, v12;
	v0 =	vadd.f32 v21, v0  }
0xb0: {  	v27 =	vld [tilespmem:$0x710];
	v6 =	vsub.f32 v63, v20;
	v3 =	vsub.f32 v22, v23  }
0xb1: {  	v42 =	vld [tilespmem:$0x730];
	v32 =	vsub.f32 $0.0e+00, v4;
	(erf) = vpow2.f32 v28;
	v0 =	vadd.f32 v1, v0  }
0xb2: {  	v57 =	vld [tilespmem:$0x750];
	v7 =	vmul.f32 v61, v46;
	v6 =	vand.u32 $0x7FFFFFFF, v6;
	v31 =	vpop (erf)  }
0xb3: {  	v35 =	vld [tilespmem:$0x720];
	v3 =	vand.u32 $0x7FFFFFFF, v3;
	v1 =	vmul.f32 $1.442695020e+00, v32;
	v0 =	vadd.f32 v31, v0  }
0xb4: {  	v34 =	vld [tilespmem:$0x520];
	v3 =	vadd.f32 v3, v6  }
0xb5: {  	v38 =	vld [tilespmem:$0xB20];
	v13 =	vsub.f32 v26, v27;
	(erf) = vpow2.f32 v1;
	v0 =	vadd.f32 v7, v0  }
0xb6: {  	v33 =	vld [tilespmem:$0xD10];
	v37 =	vsub.f32 $0.0e+00, v3;
	v5 =	vsub.f32 v29, v30;
	v39 =	vpop (erf)  }
0xb7: {  	v46 =	vld [tilespmem:$0xB30];
	v2 =	vmul.f32 v2, v54;
	v0 =	vadd.f32 v39, v0  }
0xb8: {  	v61 =	vld [tilespmem:$0xD40];
	v13 =	vand.u32 $0x7FFFFFFF, v13;
	v5 =	vand.u32 $0x7FFFFFFF, v5;
	v1 =	vmul.f32 $1.442695020e+00, v37  }
0xb9: {  	v55 =	vld [tilespmem:$0x550];
	v43 =	vadd.f32 v5, v13;
	v0 =	vadd.f32 v2, v0  }
0xba: {  	v50 =	vld [tilespmem:$0x740];
	v6 =	vsub.f32 v34, v35;
	v7 =	vsub.f32 v36, v38;
	(erf) = vpow2.f32 v1;
	v45 =	vpop (erf)  }
0xbb: {  	v52 =	vld [tilespmem:$0x940];
	v4 =	vmul.f32 v4, v62;
	v47 =	vsub.f32 $0.0e+00, v43;
	v0 =	vadd.f32 v45, v0  }
0xbc: {  	v63 =	vld [tilespmem:$0xD50];
	v6 =	vand.u32 $0x7FFFFFFF, v6;
	v7 =	vand.u32 $0x7FFFFFFF, v7  }
0xbd: {  	v53 =	vld [tilespmem:$0xB40];
	v5 =	vmul.f32 $1.442695020e+00, v47;
	v6 =	vadd.f32 v7, v6;
	v0 =	vadd.f32 v4, v0  }
0xbe: {  	v20 =	vld [tilespmem:$0x560];
	v54 =	vsub.f32 v41, v42;
	v3 =	vmul.f32 v3, v24;
	v2 =	vsub.f32 v44, v46;
	v51 =	vpop (erf)  }
0xbf: {  	v23 =	vld [tilespmem:$0x760];
	v56 =	vsub.f32 $0.0e+00, v6;
	(erf) = vpow2.f32 v5;
	v0 =	vadd.f32 v51, v0  }
0xc0: {  	v60 =	vld [tilespmem:$0xB50];
	v5 =	vand.u32 $0x7FFFFFFF, v54;
	v2 =	vand.u32 $0x7FFFFFFF, v2  }
0xc1: {  	v59 =	vld [tilespmem:$0x950];
	v2 =	vadd.f32 v2, v5;
	v0 =	vadd.f32 v3, v0;
	v3 =	vmul.f32 $1.442695020e+00, v56  }
0xc2: {  	v41 =	vld [tilespmem:$0x980];
	v7 =	vsub.f32 v52, v53;
	v4 =	vsub.f32 v49, v50  }
0xc3: {  	v35 =	vld [tilespmem:$0xB70];
	v24 =	vsub.f32 v55, v57;
	v62 =	vsub.f32 $0.0e+00, v2;
	v58 =	vpop (erf);
	(erf) = vpow2.f32 v3  }
0xc4: {  	v25 =	vld [tilespmem:$0x960];
	v1 =	vmul.f32 v43, v33;
	v7 =	vand.u32 $0x7FFFFFFF, v7;
	v4 =	vand.u32 $0x7FFFFFFF, v4  }
0xc5: {  	v55 =	vld [tilespmem:$0xBA0];
	v21 =	vmul.f32 $1.442695020e+00, v62;
	v22 =	vadd.f32 v7, v4;
	v0 =	vadd.f32 v58, v0  }
0xc6: {  	v28 =	vld [tilespmem:$0xB60];
	v5 =	vsub.f32 v59, v60  }
0xc7: {  	v19 =	vld [tilespmem:$0xBB0];
	v27 =	vsub.f32 $0.0e+00, v22;
	(erf) = vpow2.f32 v21;
	v0 =	vadd.f32 v1, v0  }
0xc8: {  	v29 =	vld [tilespmem:$0xD60];
	v6 =	vmul.f32 v6, v40;
	v5 =	vand.u32 $0x7FFFFFFF, v5;
	v26 =	vpop (erf)  }
0xc9: {  	v30 =	vld [tilespmem:$0x570];
	v7 =	vand.u32 $0x7FFFFFFF, v24;
	v1 =	vmul.f32 $1.442695020e+00, v27;
	v0 =	vadd.f32 v26, v0  }
0xca: {  	v31 =	vld [tilespmem:$0x770];
	v5 =	vadd.f32 v5, v7  }
0xcb: {  	v8 =	vsub.f32 v25, v28;
	v33 =	vld [tilespmem:$0x970];
	(erf) = vpow2.f32 v1;
	v0 =	vadd.f32 v6, v0  }
0xcc: {  	v37 =	vld [tilespmem:$0x580];
	v4 =	vsub.f32 v20, v23;
	v32 =	vsub.f32 $0.0e+00, v5;
	v34 =	vpop (erf)  }
0xcd: {  	v36 =	vld [tilespmem:$0xD70];
	v2 =	vmul.f32 v2, v48;
	v0 =	vadd.f32 v34, v0  }
0xce: {  	v8 =	vand.u32 $0x7FFFFFFF, v8;
	v43 =	vld [tilespmem:$0xB80];
	v4 =	vand.u32 $0x7FFFFFFF, v4;
	v1 =	vmul.f32 $1.442695020e+00, v32  }
0xcf: {  	v39 =	vld [tilespmem:$0x780];
	v38 =	vadd.f32 v8, v4;
	v0 =	vadd.f32 v2, v0  }
0xd0: {  	v47 =	vld [tilespmem:$0x990];
	v7 =	vsub.f32 v30, v31;
	v6 =	vsub.f32 v33, v35;
	(erf) = vpow2.f32 v1;
	v40 =	vpop (erf)  }
0xd1: {  	v44 =	vld [tilespmem:$0x590];
	v3 =	vmul.f32 v22, v61;
	v42 =	vsub.f32 $0.0e+00, v38;
	v0 =	vadd.f32 v40, v0  }
0xd2: {  	v45 =	vld [tilespmem:$0x790];
	v7 =	vand.u32 $0x7FFFFFFF, v7;
	v6 =	vand.u32 $0x7FFFFFFF, v6  }
0xd3: {  	v48 =	vld [tilespmem:$0xB90];
	v4 =	vmul.f32 $1.442695020e+00, v42;
	v6 =	vadd.f32 v6, v7;
	v0 =	vadd.f32 v3, v0  }
0xd4: {  	v28 =	vld [tilespmem:$0x5D0];
	v49 =	vsub.f32 v41, v43;
	v5 =	vmul.f32 v5, v63;
	v2 =	vsub.f32 v37, v39;
	v46 =	vpop (erf)  }
0xd5: {  	v52 =	vld [tilespmem:$0x7A0];
	v51 =	vsub.f32 $0.0e+00, v6;
	(erf) = vpow2.f32 v4;
	v0 =	vadd.f32 v46, v0  }
0xd6: {  	v54 =	vld [tilespmem:$0x9A0];
	v4 =	vand.u32 $0x7FFFFFFF, v49;
	v2 =	vand.u32 $0x7FFFFFFF, v2  }
0xd7: {  	v50 =	vld [tilespmem:$0x5A0];
	v2 =	vadd.f32 v4, v2;
	v0 =	vadd.f32 v5, v0;
	v5 =	vmul.f32 $1.442695020e+00, v51  }
0xd8: {  	v59 =	vld [tilespmem:$0x5B0];
	v7 =	vsub.f32 v47, v48;
	v3 =	vsub.f32 v44, v45  }
0xd9: {  	v20 =	vld [tilespmem:$0xDA0];
	v57 =	vsub.f32 $0.0e+00, v2;
	v53 =	vpop (erf);
	(erf) = vpow2.f32 v5  }
0xda: {  	v24 =	vld [tilespmem:$0x7C0];
	v1 =	vmul.f32 v38, v29;
	v7 =	vand.u32 $0x7FFFFFFF, v7;
	v3 =	vand.u32 $0x7FFFFFFF, v3  }
0xdb: {  	v56 =	vld [tilespmem:$0xD80];
	v60 =	vmul.f32 $1.442695020e+00, v57;
	v3 =	vadd.f32 v7, v3;
	v0 =	vadd.f32 v53, v0  }
0xdc: {  	v62 =	vsub.f32 v50, v52;
	v63 =	vld [tilespmem:$0x9B0];
	v4 =	vsub.f32 v54, v55  }
0xdd: {  	v61 =	vld [tilespmem:$0x7B0];
	v18 =	vsub.f32 $0.0e+00, v3;
	(erf) = vpow2.f32 v60;
	v0 =	vadd.f32 v1, v0  }
0xde: {  	v30 =	vld [tilespmem:$0x7D0];
	v6 =	vmul.f32 v6, v36;
	v4 =	vand.u32 $0x7FFFFFFF, v4;
	v17 =	vpop (erf)  }
0xdf: {  	v22 =	vld [tilespmem:$0x5C0];
	v7 =	vand.u32 $0x7FFFFFFF, v62;
	v1 =	vmul.f32 $1.442695020e+00, v18;
	v0 =	vadd.f32 v17, v0  }
0xe0: {  	v27 =	vld [tilespmem:$0xBC0];
	v4 =	vadd.f32 v4, v7  }
0xe1: {  	v26 =	vld [tilespmem:$0x9C0];
	v8 =	vsub.f32 v63, v19;
	(erf) = vpow2.f32 v1;
	v0 =	vadd.f32 v6, v0  }
0xe2: {  	v58 =	vld [tilespmem:$0xD90];
	v23 =	vsub.f32 $0.0e+00, v4;
	v5 =	vsub.f32 v59, v61;
	v25 =	vpop (erf)  }
0xe3: {  	v21 =	vld [tilespmem:$0xDB0];
	v2 =	vmul.f32 v2, v56;
	v0 =	vadd.f32 v25, v0  }
0xe4: {  	v32 =	vld [tilespmem:$0x9D0];
	v8 =	vand.u32 $0x7FFFFFFF, v8;
	v5 =	vand.u32 $0x7FFFFFFF, v5;
	v1 =	vmul.f32 $1.442695020e+00, v23  }
0xe5: {  	v34 =	vld [tilespmem:$0xBD0];
	v29 =	vadd.f32 v8, v5;
	v0 =	vadd.f32 v2, v0  }
0xe6: {  	v35 =	vsub.f32 v26, v27;
	v36 =	vld [tilespmem:$0x5E0];
	v6 =	vsub.f32 v22, v24;
	(erf) = vpow2.f32 v1;
	v31 =	vpop (erf)  }
0xe7: {  	v37 =	vld [tilespmem:$0x7E0];
	v3 =	vmul.f32 v3, v58;
	v33 =	vsub.f32 $0.0e+00, v29;
	v0 =	vadd.f32 v31, v0  }
0xe8: {  	v10 =	vand.u32 $0x7FFFFFFF, v35;
	v39 =	vld [tilespmem:$0x9E0];
	v6 =	vand.u32 $0x7FFFFFFF, v6  }
0xe9: {  	v40 =	vld [tilespmem:$0xBE0];
	v5 =	vmul.f32 $1.442695020e+00, v33;
	v6 =	vadd.f32 v10, v6;
	v0 =	vadd.f32 v3, v0  }
0xea: {  	v42 =	vld [tilespmem:$0x5F0];
	v41 =	vsub.f32 v32, v34;
	v4 =	vmul.f32 v4, v20;
	v2 =	vsub.f32 v28, v30;
	v38 =	vpop (erf)  }
0xeb: {  	v47 =	vld [tilespmem:$0xBF0];
	v43 =	vsub.f32 $0.0e+00, v6;
	(erf) = vpow2.f32 v5;
	v0 =	vadd.f32 v38, v0  }
0xec: {  	v44 =	vld [tilespmem:$0x7F0];
	v5 =	vand.u32 $0x7FFFFFFF, v41;
	v2 =	vand.u32 $0x7FFFFFFF, v2  }
0xed: {  	v46 =	vld [tilespmem:$0x9F0];
	v2 =	vadd.f32 v5, v2;
	v0 =	vadd.f32 v4, v0;
	v4 =	vmul.f32 $1.442695020e+00, v43  }
0xee: {  	v9 =	vsub.f32 v39, v40;
	v3 =	vsub.f32 v36, v37  }
0xef: {  	v49 =	vld [tilespmem:$0xDC0];
	v48 =	vsub.f32 $0.0e+00, v2;
	v45 =	vpop (erf);
	(erf) = vpow2.f32 v4  }
0xf0: {  	v9 =	vand.u32 $0x7FFFFFFF, v9;
	v1 =	vmul.f32 v29, v21;
	v3 =	vand.u32 $0x7FFFFFFF, v3  }
0xf1: {  	v50 =	vadd.f32 v9, v3;
	v51 =	vmul.f32 $1.442695020e+00, v48;
	v0 =	vadd.f32 v45, v0  }
0xf2: {  	v52 =	vsub.f32 v42, v44;
	v5 =	vsub.f32 v46, v47  }
0xf3: {  	v54 =	vsub.f32 $0.0e+00, v50;
	(erf) = vpow2.f32 v51;
	v0 =	vadd.f32 v1, v0  }
0xf4: {  	v55 =	vld [tilespmem:$0xDD0];
	v6 =	vmul.f32 v6, v49;
	v5 =	vand.u32 $0x7FFFFFFF, v5;
	v53 =	vpop (erf);
	v4 =	vand.u32 $0x7FFFFFFF, v52  }
0xf5: {  	v3 =	vmul.f32 $1.442695020e+00, v54;
	v4 =	vadd.f32 v5, v4;
	v0 =	vadd.f32 v53, v0;
	_ =	sdelay $0x1  }
0xf6: {  	(erf) = vpow2.f32 v3;
	v56 =	vsub.f32 $0.0e+00, v4;
	v0 =	vadd.f32 v6, v0  }
0xf7: {  	v58 =	vld [tilespmem:$0xDE0];
	v57 =	vpop (erf)  }
0xf8: {  	v2 =	vmul.f32 v2, v55;
	v3 =	vmul.f32 $1.442695020e+00, v56;
	v0 =	vadd.f32 v57, v0;
	_ =	sdelay $0x1  }
0xf9: {  	(erf) = vpow2.f32 v3;
	v0 =	vadd.f32 v2, v0  }
0xfa: {  	v60 =	vld [tilespmem:$0xDF0];
	v59 =	vpop (erf)  }
0xfb: {  	v1 =	vmul.f32 v50, v58;
	v0 =	vadd.f32 v59, v0;
	_ =	sdelay $0x1  }
0xfc: {  	v0 =	vadd.f32 v1, v0  }
0xfd: {  	v61 =	vpop (erf)  }
0xfe: {  	v62 =	vmul.f32 v4, v60;
	v0 =	vadd.f32 v61, v0;
	_ =	sdelay $0x1  }
0xff: {  	v0 =	vadd.f32 v62, v0  }
0x100: {  	v63 =	vpop (erf)  }
0x101: {  	v0 =	vadd.f32 v63, v0  }
0x102: {  	p0 =	sne.s32 s13, $0x1  }
.Ltmp0:
0x103: {  	[tilespmem:$0xE00] =	vst v0;
	(pc) =	sbr.rel @p0 .LBB2_1-.Ltmp0, $4  }
0x104: {  	[hbm4b:s12+s2] =	stream.linear.scatter [tilespmem:s0], [sflag:$0x5], $0x10, $0x38;
	[tilespmem:$0xE10] =	vst v63  }
0x105: {  	_ =	swait.ge [sflag:s29], $0x10  }
0x106: {  	[sflag:s29] =	ssyncset.done $0x0  }
0x107: {  	s13 =	sadd.s32 $0xFFFFFFFF, s13;
	[sflag:s29] =	ssyncadd.s32 $0xFFFFFFF0  }
0x108: {  	_ =	sfence.sel $0x180000  }
0x109: {  	[bflag:$0x0] =	sbarrier.arrive $0xFFFF  }
0x10a: {  	_ =	strace $0x90000047  }
0x10b: {  	s0 =	stileid.u32;
	[bflag:$0x2] =	sbarrier.arrive $0xFFFF  }
0x10c: {  	p0 =	sne.s32 s0, $0x0;
	s0 =	rddreg [dreg:$0x3]  }
0x10d: {  	s0 =	sadd.s32 @!p0 $0x100000, s0  }
0x10e: {  	[sflag:s0] =	ssyncadd.tile.s32 @!p0 $0x1;
	_ =	shalt  }
.Lfunc_end2:
_tile_overlayer_lowered:
.L_overlay_start_2:
0x10f: {  	(tag) =	ssettag $0x2  }
0x110: {  	s0 =	rddreg [dreg:$0x0];
	s2 =	stileid.u32  }
0x111: {  	s1 =	rddreg [dreg:$0x1];
	p0 =	sne.s32 s2, $0x0  }
0x112: {  	s3 =	rddreg [dreg:$0x2];
	[bflag:$0x3] =	sbarrier.arrive $0xFFFF;
	s2 =	simm.s32 @!p0 $0x1C05  }
0x113: {  	[timem:s3], [sflag:s2] =	dma.local @!p0 [hbm:s0], s1  }
0x114: {  	s0 =	simm.s32 @!p0 $0x5  }
0x115: {  	_ =	swait.ge @!p0 [sflag:s0], s1  }
0x116: {  	s1 =	ssub.s32 @!p0 $0x0, s1;
	[sflag:s0] =	ssyncset.done @!p0 $0x0  }
0x117: {  	[sflag:s0] =	ssyncadd.s32 @!p0 s1  }
0x118: {  	[bflag:$0x3] =	sbarrier.arrive $0xFFFF  }
0x119: {  	_ =	shalt  }

</sc_bundles>
